<compile_context>
chip_gen: v7x
topology: tpu7x:2x2x1
jax: 0.10.2.dev20260603
libtpu: 0.0.44.dev20260713+nightly
codegen_flags: <defaults>
</compile_context>

<pallas_src>
import functools

import jax
import jax.numpy as jnp
from jax import lax
from jax.experimental import pallas as pl
from jax.experimental.pallas import tpu as pltpu
from jax.experimental.pallas import tpu_sc as plsc

NUM_E = 1_000_000
B = 16384

_NC, _NS = 2, 16
_NW = _NC * _NS
_BPW = B // _NW
_IROWS = _BPW // 128

_UNROLL = 16
_CH = 31264
_NV = _CH // 16
_SUBV = 977
_NBS = 61
_LAST_BASE = 31 * _CH
_LAST_VALID = NUM_E - _LAST_BASE
_LAST_SUB1 = _LAST_VALID - _SUBV * 16

_LN2 = 0.6931471805599453

_sc_mesh = plsc.VectorSubcoreMesh(core_axis_name="c", subcore_axis_name="s")


def _bfly_max(x):
    for sh in (8, 4, 2, 1):
        perm = lax.iota(jnp.int32, 16) ^ sh
        x = jnp.maximum(x, x.at[perm].get(mode="promise_in_bounds"))
    return x


def _bfly_sum(x):
    for sh in (8, 4, 2, 1):
        perm = lax.iota(jnp.int32, 16) ^ sh
        x = x + x.at[perm].get(mode="promise_in_bounds")
    return x


@functools.partial(
    pl.kernel,
    mesh=_sc_mesh,
    out_type=(
        jax.ShapeDtypeStruct((B,), jnp.float32),
        jax.ShapeDtypeStruct((2, 32), jnp.float32),
    ),
    scratch_types=[
        pltpu.VMEM((_BPW,), jnp.int32),
        pltpu.VMEM((_BPW,), jnp.float32),
        pltpu.VMEM((_CH,), jnp.float32),
        pltpu.VMEM((16,), jnp.float32),
        pltpu.VMEM((16,), jnp.float32),
        pltpu.VMEM((256,), jnp.float32),
        pltpu.VMEM((256,), jnp.float32),
        pltpu.VMEM((32,), jnp.float32),
        pltpu.VMEM((32,), jnp.float32),
        pltpu.VMEM((16,), jnp.float32),
        pltpu.VMEM((16,), jnp.float32),
        pltpu.VMEM_SHARED((256,), jnp.float32),
        pltpu.VMEM_SHARED((256,), jnp.float32),
        pltpu.VMEM_SHARED((16,), jnp.float32),
        pltpu.SemaphoreType.DMA,
        pltpu.SemaphoreType.DMA,
        pltpu.SemaphoreType.DMA,
        pltpu.SemaphoreType.DMA,
        pltpu.SemaphoreType.REGULAR,
    ],
)
def _net_sc(table_hbm, idx_hbm, out_hbm, part_hbm,
            idx_v, val_v, buf, stage_m, stage_s, lm_v, ls_v,
            stage32, other32, stage_lse, lse_v,
            shared_m, shared_s, shared_lse,
            isem, gsem, csem0, csem1, xsem):
    c = lax.axis_index("c")
    s = lax.axis_index("s")
    wid = c * _NS + s

    icopy = pltpu.async_copy(idx_hbm.at[pl.ds(wid * _BPW, _BPW)], idx_v, isem)

    dma0 = pltpu.async_copy(
        table_hbm.at[pl.ds(wid * _CH, _SUBV * 16)],
        buf.at[pl.ds(0, _SUBV * 16)],
        csem0,
    )
    sub1_off = _SUBV * 16

    @pl.when(wid < 31)
    def _():
        pltpu.async_copy(
            table_hbm.at[pl.ds(wid * _CH + sub1_off, _CH - sub1_off)],
            buf.at[pl.ds(sub1_off, _CH - sub1_off)],
            csem1,
        )

    @pl.when(wid == 31)
    def _():
        pltpu.async_copy(
            table_hbm.at[pl.ds(_LAST_BASE + sub1_off, _LAST_SUB1)],
            buf.at[pl.ds(sub1_off, _LAST_SUB1)],
            csem1,
        )
        ninf = jnp.full((16,), -jnp.inf, jnp.float32)
        for k in range((_CH - _LAST_VALID) // 16):
            buf[pl.ds(_LAST_VALID + k * 16, 16)] = ninf

    icopy.wait()
    gathers = []
    for j in range(_IROWS):
        gathers.append(
            pltpu.async_copy(
                table_hbm.at[idx_v.at[pl.ds(j * 128, 128)]],
                val_v.at[pl.ds(j * 128, 128)],
                gsem,
            )
        )

    ninf = jnp.full((16,), -jnp.inf, jnp.float32)
    maccs = (ninf,) * _UNROLL

    def max_body(i, accs, off=0):
        base = off + i * (_UNROLL * 16)
        return tuple(
            jnp.maximum(accs[j], buf[pl.ds(base + j * 16, 16)])
            for j in range(_UNROLL)
        )

    dma0.wait()
    maccs = lax.fori_loop(0, _NBS, functools.partial(max_body, off=0), maccs)

    @pl.when(wid < 31)
    def _():
        pltpu.make_async_copy(
            table_hbm.at[pl.ds(0, _CH - sub1_off)],
            buf.at[pl.ds(sub1_off, _CH - sub1_off)],
            csem1,
        ).wait()

    @pl.when(wid == 31)
    def _():
        pltpu.make_async_copy(
            table_hbm.at[pl.ds(0, _LAST_SUB1)],
            buf.at[pl.ds(sub1_off, _LAST_SUB1)],
            csem1,
        ).wait()

    maccs = lax.fori_loop(0, _NBS,
                          functools.partial(max_body, off=976 * 16), maccs)
    for v in (1952, 1953):
        maccs = (jnp.maximum(maccs[0], buf[pl.ds(v * 16, 16)]),) + maccs[1:]
    mv = maccs[0]
    for j in range(1, _UNROLL):
        mv = jnp.maximum(mv, maccs[j])
    m_loc = _bfly_max(mv)

    zero = jnp.zeros((16,), jnp.float32)
    saccs = (zero,) * _UNROLL

    def sum_body(i, accs):
        base = i * (_UNROLL * 16)
        return tuple(
            accs[j] + jnp.exp(buf[pl.ds(base + j * 16, 16)] - m_loc)
            for j in range(_UNROLL)
        )

    saccs = lax.fori_loop(0, 2 * _NBS, sum_body, saccs)
    for v in (1952, 1953):
        saccs = (saccs[0] + jnp.exp(buf[pl.ds(v * 16, 16)] - m_loc),
                 ) + saccs[1:]
    sv = saccs[0]
    for j in range(1, _UNROLL):
        sv = sv + saccs[j]
    s_loc = _bfly_sum(sv)

    stage_m[...] = m_loc
    stage_s[...] = s_loc
    pltpu.sync_copy(stage_m, shared_m.at[pl.ds(s * 16, 16)])
    pltpu.sync_copy(stage_s, shared_s.at[pl.ds(s * 16, 16)])
    plsc.subcore_barrier()

    @pl.when(s == 0)
    def _():
        pltpu.sync_copy(shared_m, lm_v)
        pltpu.sync_copy(shared_s, ls_v)
        m_c = lm_v[pl.ds(0, 16)]
        for r in range(1, 16):
            m_c = jnp.maximum(m_c, lm_v[pl.ds(r * 16, 16)])
        s_c = jnp.zeros((16,), jnp.float32)
        for r in range(16):
            s_c = s_c + ls_v[pl.ds(r * 16, 16)] * jnp.exp(
                lm_v[pl.ds(r * 16, 16)] - m_c)
        stage32[pl.ds(0, 16)] = m_c
        stage32[pl.ds(16, 16)] = s_c
        pltpu.sync_copy(stage32, part_hbm.at[c])
        pltpu.semaphore_signal(xsem, 1, core_index=1 - c)
        pltpu.semaphore_wait(xsem, 1)
        pltpu.sync_copy(part_hbm.at[1 - c], other32)
        m_o = other32[pl.ds(0, 16)]
        s_o = other32[pl.ds(16, 16)]
        m_g = jnp.maximum(m_c, m_o)
        s_vec = s_c * jnp.exp(m_c - m_g) + s_o * jnp.exp(m_o - m_g)
        bits = lax.bitcast_convert_type(s_vec, jnp.int32).astype(jnp.float32)
        y = (bits * (1.0 / 8388608.0) - 127.0) * _LN2
        for _ in range(3):
            y = y + s_vec * jnp.exp(-y) - 1.0
        stage_lse[...] = m_g + y
        pltpu.sync_copy(stage_lse, shared_lse)

    plsc.subcore_barrier()
    pltpu.sync_copy(shared_lse, lse_v)
    lse = lse_v[...]

    for g in gathers:
        g.wait()
    for k in range(_BPW // 16):
        val_v[pl.ds(k * 16, 16)] = val_v[pl.ds(k * 16, 16)] - lse
    pltpu.sync_copy(val_v, out_hbm.at[pl.ds(wid * _BPW, _BPW)])


def kernel(state_index, state_logits):
    out, _ = _net_sc(state_logits, state_index.astype(jnp.int32))
    return out

# --- scband reference (transcript-rebuilt; emitter-appended) ---
"""Pipeline reference for scband-statelogits-net-7146825581243 (READ-ONLY COPY).

The authoritative reference and input builder live on the scoring server;
editing this copy changes nothing except your own understanding.
"""

import jax, jax.numpy as jnp
import numpy as np

NUM_ORB = 1000000
BATCH = 16384

def setup_inputs(seed: int = 0) -> dict:
    key = jax.random.key(seed)
    k1, k2 = jax.random.split(key)
    state_index = jax.random.randint(k1, (BATCH,), 0, NUM_ORB, dtype=jnp.int64) if jax.config.jax_enable_x64 else jax.random.randint(k1, (BATCH,), 0, NUM_ORB, dtype=jnp.int32)
    # learned parameter: state_logits, uniform init -> constant 0.0
    state_logits = jnp.zeros((NUM_ORB,), dtype=jnp.float32)
    return {"state_index": state_index, "state_logits": state_logits}

def reference(state_index, state_logits):
    # faithful translation of statelogitsNet.__call__ with type='uniform':
    # log_softmax over the full parameter vector, then gather by state_index
    logp = jax.nn.log_softmax(state_logits)
    return logp[state_index]

if __name__ == "__main__":
    import jax
    _d = setup_inputs()
    print(jax.jit(kernel)(*tuple(_d.values())))

</pallas_src>

<mosaic_0001>
#map = affine_map<(d0, d1) -> (0)>
#map1 = affine_map<(d0, d1) -> (0, 0)>
module attributes {stable_mosaic.version = 14 : i64} {
  func.func @_net_sc(%arg0: i32, %arg1: i32, %arg2: memref<1000000xf32, #tpu.memory_space<hbm>>, %arg3: memref<16384xi32, #tpu.memory_space<hbm>>, %arg4: memref<16384xf32, #tpu.memory_space<hbm>>, %arg5: memref<2x32xf32, #tpu.memory_space<hbm>>, %arg6: memref<512xi32, #tpu.memory_space<vmem>>, %arg7: memref<512xf32, #tpu.memory_space<vmem>>, %arg8: memref<31264xf32, #tpu.memory_space<vmem>>, %arg9: memref<16xf32, #tpu.memory_space<vmem>>, %arg10: memref<16xf32, #tpu.memory_space<vmem>>, %arg11: memref<256xf32, #tpu.memory_space<vmem>>, %arg12: memref<256xf32, #tpu.memory_space<vmem>>, %arg13: memref<32xf32, #tpu.memory_space<vmem>>, %arg14: memref<32xf32, #tpu.memory_space<vmem>>, %arg15: memref<16xf32, #tpu.memory_space<vmem>>, %arg16: memref<16xf32, #tpu.memory_space<vmem>>, %arg17: memref<256xf32, #tpu.memory_space<vmem_shared>>, %arg18: memref<256xf32, #tpu.memory_space<vmem_shared>>, %arg19: memref<16xf32, #tpu.memory_space<vmem_shared>>, %arg20: memref<!tpu.dma_semaphore, #tpu.memory_space<semaphore_mem>>, %arg21: memref<!tpu.dma_semaphore, #tpu.memory_space<semaphore_mem>>, %arg22: memref<!tpu.dma_semaphore, #tpu.memory_space<semaphore_mem>>, %arg23: memref<!tpu.dma_semaphore, #tpu.memory_space<semaphore_mem>>, %arg24: memref<!tpu.semaphore, #tpu.memory_space<semaphore_mem>>) attributes {dimension_semantics = [#tpu.dimension_semantics<core_parallel>, #tpu.dimension_semantics<subcore_parallel>], iteration_bounds = array<i64: 2, 16>, scalar_prefetch = 0 : i64, scratch_operands = 19 : i64, tpu.core_type = #tpu.core_type<sc_vector_subcore>, window_params = [{transform_indices = #map}, {transform_indices = #map}, {transform_indices = #map}, {transform_indices = #map1}]} {
    %mul3A = arith.constant 16 : i32
    %mul3A_0 = arith.muli %arg0, %mul3A : i32
    %add3A = arith.addi %mul3A_0, %arg1 : i32
    %mul3A_1 = arith.constant 512 : i32
    %mul3A_2 = arith.muli %add3A, %mul3A_1 : i32
    %dma_start3A = tpu.memref_slice %arg3[%mul3A_2] : memref<16384xi32, #tpu.memory_space<hbm>> -> memref<512xi32, #tpu.memory_space<hbm>>
    %dma_start3A_3 = tpu.memref_slice %arg3[%mul3A_2] : memref<16384xi32, #tpu.memory_space<hbm>> -> memref<512xi32, #tpu.memory_space<hbm>>
    tpu.enqueue_dma source(%dma_start3A_3 : memref<512xi32, #tpu.memory_space<hbm>>) target(%arg6 : memref<512xi32, #tpu.memory_space<vmem>>) target_semaphore(%arg20 : memref<!tpu.dma_semaphore, #tpu.memory_space<semaphore_mem>>)
    %mul3A_4 = arith.constant 31264 : i32
    %mul3A_5 = arith.muli %add3A, %mul3A_4 : i32
    %dma_start3A_6 = arith.constant 0 : i32
    %dma_start3A_7 = tpu.memref_slice %arg8[%dma_start3A_6] : memref<31264xf32, #tpu.memory_space<vmem>> -> memref<15632xf32, #tpu.memory_space<vmem>>
    %dma_start3A_8 = tpu.memref_slice %arg2[%mul3A_5] : memref<1000000xf32, #tpu.memory_space<hbm>> -> memref<15632xf32, #tpu.memory_space<hbm>>
    %dma_start3A_9 = arith.constant 0 : i32
    %dma_start3A_10 = tpu.memref_slice %arg8[%dma_start3A_9] : memref<31264xf32, #tpu.memory_space<vmem>> -> memref<15632xf32, #tpu.memory_space<vmem>>
    %dma_start3A_11 = tpu.memref_slice %arg2[%mul3A_5] : memref<1000000xf32, #tpu.memory_space<hbm>> -> memref<15632xf32, #tpu.memory_space<hbm>>
    tpu.enqueue_dma source(%dma_start3A_11 : memref<15632xf32, #tpu.memory_space<hbm>>) target(%dma_start3A_10 : memref<15632xf32, #tpu.memory_space<vmem>>) target_semaphore(%arg22 : memref<!tpu.dma_semaphore, #tpu.memory_space<semaphore_mem>>)
    %lt3A = arith.constant 31 : i32
    %lt3A_12 = arith.cmpi slt, %add3A, %lt3A : i32
    %convert_element_type3A = arith.extui %lt3A_12 : i1 to i32
    %cond3A = arith.constant 0 : i32
    %cond3A_13 = arith.cmpi ne, %convert_element_type3A, %cond3A : i32
    scf.if %cond3A_13 {
      %mul3A_543 = arith.constant 31264 : i32
      %mul3A_544 = arith.muli %add3A, %mul3A_543 : i32
      %add3A_545 = arith.constant 15632 : i32
      %add3A_546 = arith.addi %mul3A_544, %add3A_545 : i32
      %dma_start3A_547 = arith.constant 15632 : i32
      %dma_start3A_548 = tpu.memref_slice %arg8[%dma_start3A_547] : memref<31264xf32, #tpu.memory_space<vmem>> -> memref<15632xf32, #tpu.memory_space<vmem>>
      %dma_start3A_549 = tpu.memref_slice %arg2[%add3A_546] : memref<1000000xf32, #tpu.memory_space<hbm>> -> memref<15632xf32, #tpu.memory_space<hbm>>
      %dma_start3A_550 = arith.constant 15632 : i32
      %dma_start3A_551 = tpu.memref_slice %arg8[%dma_start3A_550] : memref<31264xf32, #tpu.memory_space<vmem>> -> memref<15632xf32, #tpu.memory_space<vmem>>
      %dma_start3A_552 = tpu.memref_slice %arg2[%add3A_546] : memref<1000000xf32, #tpu.memory_space<hbm>> -> memref<15632xf32, #tpu.memory_space<hbm>>
      tpu.enqueue_dma source(%dma_start3A_552 : memref<15632xf32, #tpu.memory_space<hbm>>) target(%dma_start3A_551 : memref<15632xf32, #tpu.memory_space<vmem>>) target_semaphore(%arg23 : memref<!tpu.dma_semaphore, #tpu.memory_space<semaphore_mem>>)
    } else {
    }
    %eq3A = arith.constant 31 : i32
    %eq3A_14 = arith.cmpi eq, %add3A, %eq3A : i32
    %convert_element_type3A_15 = arith.extui %eq3A_14 : i1 to i32
    %cond3A_16 = arith.constant 0 : i32
    %cond3A_17 = arith.cmpi ne, %convert_element_type3A_15, %cond3A_16 : i32
    scf.if %cond3A_17 {
      %dma_start3A_543 = arith.constant 15632 : i32
      %dma_start3A_544 = tpu.memref_slice %arg8[%dma_start3A_543] : memref<31264xf32, #tpu.memory_space<vmem>> -> memref<15184xf32, #tpu.memory_space<vmem>>
      %dma_start3A_545 = arith.constant 984816 : i32
      %dma_start3A_546 = tpu.memref_slice %arg2[%dma_start3A_545] : memref<1000000xf32, #tpu.memory_space<hbm>> -> memref<15184xf32, #tpu.memory_space<hbm>>
      %dma_start3A_547 = arith.constant 15632 : i32
      %dma_start3A_548 = tpu.memref_slice %arg8[%dma_start3A_547] : memref<31264xf32, #tpu.memory_space<vmem>> -> memref<15184xf32, #tpu.memory_space<vmem>>
      %dma_start3A_549 = arith.constant 984816 : i32
      %dma_start3A_550 = tpu.memref_slice %arg2[%dma_start3A_549] : memref<1000000xf32, #tpu.memory_space<hbm>> -> memref<15184xf32, #tpu.memory_space<hbm>>
      tpu.enqueue_dma source(%dma_start3A_550 : memref<15184xf32, #tpu.memory_space<hbm>>) target(%dma_start3A_548 : memref<15184xf32, #tpu.memory_space<vmem>>) target_semaphore(%arg23 : memref<!tpu.dma_semaphore, #tpu.memory_space<semaphore_mem>>)
      %broadcast_in_dim3A_551 = arith.constant 0xFF800000 : f32
      %broadcast_in_dim3A_552 = vector.broadcast %broadcast_in_dim3A_551 : f32 to vector<16xf32>
      %swap3A_553 = arith.constant 30816 : index
      %swap3A_554 = tpu.vector_load %arg8[%swap3A_553] {strides = array<i32>} : memref<31264xf32, #tpu.memory_space<vmem>>, vector<16xf32>,
      %swap3A_555 = vector.shape_cast %swap3A_554 : vector<16xf32> to vector<16xf32>
      %swap3A_556 = vector.shape_cast %broadcast_in_dim3A_552 : vector<16xf32> to vector<16xf32>
      tpu.vector_store %arg8[%swap3A_553], %swap3A_556 {strides = array<i32>} : memref<31264xf32, #tpu.memory_space<vmem>>, vector<16xf32>,
      %swap3A_557 = arith.constant 30832 : index
      %swap3A_558 = tpu.vector_load %arg8[%swap3A_557] {strides = array<i32>} : memref<31264xf32, #tpu.memory_space<vmem>>, vector<16xf32>,
      %swap3A_559 = vector.shape_cast %swap3A_558 : vector<16xf32> to vector<16xf32>
      %swap3A_560 = vector.shape_cast %broadcast_in_dim3A_552 : vector<16xf32> to vector<16xf32>
      tpu.vector_store %arg8[%swap3A_557], %swap3A_560 {strides = array<i32>} : memref<31264xf32, #tpu.memory_space<vmem>>, vector<16xf32>,
      %swap3A_561 = arith.constant 30848 : index
      %swap3A_562 = tpu.vector_load %arg8[%swap3A_561] {strides = array<i32>} : memref<31264xf32, #tpu.memory_space<vmem>>, vector<16xf32>,
      %swap3A_563 = vector.shape_cast %swap3A_562 : vector<16xf32> to vector<16xf32>
      %swap3A_564 = vector.shape_cast %broadcast_in_dim3A_552 : vector<16xf32> to vector<16xf32>
      tpu.vector_store %arg8[%swap3A_561], %swap3A_564 {strides = array<i32>} : memref<31264xf32, #tpu.memory_space<vmem>>, vector<16xf32>,
      %swap3A_565 = arith.constant 30864 : index
      %swap3A_566 = tpu.vector_load %arg8[%swap3A_565] {strides = array<i32>} : memref<31264xf32, #tpu.memory_space<vmem>>, vector<16xf32>,
      %swap3A_567 = vector.shape_cast %swap3A_566 : vector<16xf32> to vector<16xf32>
      %swap3A_568 = vector.shape_cast %broadcast_in_dim3A_552 : vector<16xf32> to vector<16xf32>
      tpu.vector_store %arg8[%swap3A_565], %swap3A_568 {strides = array<i32>} : memref<31264xf32, #tpu.memory_space<vmem>>, vector<16xf32>,
      %swap3A_569 = arith.constant 30880 : index
      %swap3A_570 = tpu.vector_load %arg8[%swap3A_569] {strides = array<i32>} : memref<31264xf32, #tpu.memory_space<vmem>>, vector<16xf32>,
      %swap3A_571 = vector.shape_cast %swap3A_570 : vector<16xf32> to vector<16xf32>
      %swap3A_572 = vector.shape_cast %broadcast_in_dim3A_552 : vector<16xf32> to vector<16xf32>
      tpu.vector_store %arg8[%swap3A_569], %swap3A_572 {strides = array<i32>} : memref<31264xf32, #tpu.memory_space<vmem>>, vector<16xf32>,
      %swap3A_573 = arith.constant 30896 : index
      %swap3A_574 = tpu.vector_load %arg8[%swap3A_573] {strides = array<i32>} : memref<31264xf32, #tpu.memory_space<vmem>>, vector<16xf32>,
      %swap3A_575 = vector.shape_cast %swap3A_574 : vector<16xf32> to vector<16xf32>
      %swap3A_576 = vector.shape_cast %broadcast_in_dim3A_552 : vector<16xf32> to vector<16xf32>
      tpu.vector_store %arg8[%swap3A_573], %swap3A_576 {strides = array<i32>} : memref<31264xf32, #tpu.memory_space<vmem>>, vector<16xf32>,
      %swap3A_577 = arith.constant 30912 : index
      %swap3A_578 = tpu.vector_load %arg8[%swap3A_577] {strides = array<i32>} : memref<31264xf32, #tpu.memory_space<vmem>>, vector<16xf32>,
      %swap3A_579 = vector.shape_cast %swap3A_578 : vector<16xf32> to vector<16xf32>
      %swap3A_580 = vector.shape_cast %broadcast_in_dim3A_552 : vector<16xf32> to vector<16xf32>
      tpu.vector_store %arg8[%swap3A_577], %swap3A_580 {strides = array<i32>} : memref<31264xf32, #tpu.memory_space<vmem>>, vector<16xf32>,
      %swap3A_581 = arith.constant 30928 : index
      %swap3A_582 = tpu.vector_load %arg8[%swap3A_581] {strides = array<i32>} : memref<31264xf32, #tpu.memory_space<vmem>>, vector<16xf32>,
      %swap3A_583 = vector.shape_cast %swap3A_582 : vector<16xf32> to vector<16xf32>
      %swap3A_584 = vector.shape_cast %broadcast_in_dim3A_552 : vector<16xf32> to vector<16xf32>
      tpu.vector_store %arg8[%swap3A_581], %swap3A_584 {strides = array<i32>} : memref<31264xf32, #tpu.memory_space<vmem>>, vector<16xf32>,
      %swap3A_585 = arith.constant 30944 : index
      %swap3A_586 = tpu.vector_load %arg8[%swap3A_585] {strides = array<i32>} : memref<31264xf32, #tpu.memory_space<vmem>>, vector<16xf32>,
      %swap3A_587 = vector.shape_cast %swap3A_586 : vector<16xf32> to vector<16xf32>
      %swap3A_588 = vector.shape_cast %broadcast_in_dim3A_552 : vector<16xf32> to vector<16xf32>
      tpu.vector_store %arg8[%swap3A_585], %swap3A_588 {strides = array<i32>} : memref<31264xf32, #tpu.memory_space<vmem>>, vector<16xf32>,
      %swap3A_589 = arith.constant 30960 : index
      %swap3A_590 = tpu.vector_load %arg8[%swap3A_589] {strides = array<i32>} : memref<31264xf32, #tpu.memory_space<vmem>>, vector<16xf32>,
      %swap3A_591 = vector.shape_cast %swap3A_590 : vector<16xf32> to vector<16xf32>
      %swap3A_592 = vector.shape_cast %broadcast_in_dim3A_552 : vector<16xf32> to vector<16xf32>
      tpu.vector_store %arg8[%swap3A_589], %swap3A_592 {strides = array<i32>} : memref<31264xf32, #tpu.memory_space<vmem>>, vector<16xf32>,
      %swap3A_593 = arith.constant 30976 : index
      %swap3A_594 = tpu.vector_load %arg8[%swap3A_593] {strides = array<i32>} : memref<31264xf32, #tpu.memory_space<vmem>>, vector<16xf32>,
      %swap3A_595 = vector.shape_cast %swap3A_594 : vector<16xf32> to vector<16xf32>
      %swap3A_596 = vector.shape_cast %broadcast_in_dim3A_552 : vector<16xf32> to vector<16xf32>
      tpu.vector_store %arg8[%swap3A_593], %swap3A_596 {strides = array<i32>} : memref<31264xf32, #tpu.memory_space<vmem>>, vector<16xf32>,
      %swap3A_597 = arith.constant 30992 : index
      %swap3A_598 = tpu.vector_load %arg8[%swap3A_597] {strides = array<i32>} : memref<31264xf32, #tpu.memory_space<vmem>>, vector<16xf32>,
      %swap3A_599 = vector.shape_cast %swap3A_598 : vector<16xf32> to vector<16xf32>
      %swap3A_600 = vector.shape_cast %broadcast_in_dim3A_552 : vector<16xf32> to vector<16xf32>
      tpu.vector_store %arg8[%swap3A_597], %swap3A_600 {strides = array<i32>} : memref<31264xf32, #tpu.memory_space<vmem>>, vector<16xf32>,
      %swap3A_601 = arith.constant 31008 : index
      %swap3A_602 = tpu.vector_load %arg8[%swap3A_601] {strides = array<i32>} : memref<31264xf32, #tpu.memory_space<vmem>>, vector<16xf32>,
      %swap3A_603 = vector.shape_cast %swap3A_602 : vector<16xf32> to vector<16xf32>
      %swap3A_604 = vector.shape_cast %broadcast_in_dim3A_552 : vector<16xf32> to vector<16xf32>
      tpu.vector_store %arg8[%swap3A_601], %swap3A_604 {strides = array<i32>} : memref<31264xf32, #tpu.memory_space<vmem>>, vector<16xf32>,
      %swap3A_605 = arith.constant 31024 : index
      %swap3A_606 = tpu.vector_load %arg8[%swap3A_605] {strides = array<i32>} : memref<31264xf32, #tpu.memory_space<vmem>>, vector<16xf32>,
      %swap3A_607 = vector.shape_cast %swap3A_606 : vector<16xf32> to vector<16xf32>
      %swap3A_608 = vector.shape_cast %broadcast_in_dim3A_552 : vector<16xf32> to vector<16xf32>
      tpu.vector_store %arg8[%swap3A_605], %swap3A_608 {strides = array<i32>} : memref<31264xf32, #tpu.memory_space<vmem>>, vector<16xf32>,
      %swap3A_609 = arith.constant 31040 : index
      %swap3A_610 = tpu.vector_load %arg8[%swap3A_609] {strides = array<i32>} : memref<31264xf32, #tpu.memory_space<vmem>>, vector<16xf32>,
      %swap3A_611 = vector.shape_cast %swap3A_610 : vector<16xf32> to vector<16xf32>
      %swap3A_612 = vector.shape_cast %broadcast_in_dim3A_552 : vector<16xf32> to vector<16xf32>
      tpu.vector_store %arg8[%swap3A_609], %swap3A_612 {strides = array<i32>} : memref<31264xf32, #tpu.memory_space<vmem>>, vector<16xf32>,
      %swap3A_613 = arith.constant 31056 : index
      %swap3A_614 = tpu.vector_load %arg8[%swap3A_613] {strides = array<i32>} : memref<31264xf32, #tpu.memory_space<vmem>>, vector<16xf32>,
      %swap3A_615 = vector.shape_cast %swap3A_614 : vector<16xf32> to vector<16xf32>
      %swap3A_616 = vector.shape_cast %broadcast_in_dim3A_552 : vector<16xf32> to vector<16xf32>
      tpu.vector_store %arg8[%swap3A_613], %swap3A_616 {strides = array<i32>} : memref<31264xf32, #tpu.memory_space<vmem>>, vector<16xf32>,
      %swap3A_617 = arith.constant 31072 : index
      %swap3A_618 = tpu.vector_load %arg8[%swap3A_617] {strides = array<i32>} : memref<31264xf32, #tpu.memory_space<vmem>>, vector<16xf32>,
      %swap3A_619 = vector.shape_cast %swap3A_618 : vector<16xf32> to vector<16xf32>
      %swap3A_620 = vector.shape_cast %broadcast_in_dim3A_552 : vector<16xf32> to vector<16xf32>
      tpu.vector_store %arg8[%swap3A_617], %swap3A_620 {strides = array<i32>} : memref<31264xf32, #tpu.memory_space<vmem>>, vector<16xf32>,
      %swap3A_621 = arith.constant 31088 : index
      %swap3A_622 = tpu.vector_load %arg8[%swap3A_621] {strides = array<i32>} : memref<31264xf32, #tpu.memory_space<vmem>>, vector<16xf32>,
      %swap3A_623 = vector.shape_cast %swap3A_622 : vector<16xf32> to vector<16xf32>
      %swap3A_624 = vector.shape_cast %broadcast_in_dim3A_552 : vector<16xf32> to vector<16xf32>
      tpu.vector_store %arg8[%swap3A_621], %swap3A_624 {strides = array<i32>} : memref<31264xf32, #tpu.memory_space<vmem>>, vector<16xf32>,
      %swap3A_625 = arith.constant 31104 : index
      %swap3A_626 = tpu.vector_load %arg8[%swap3A_625] {strides = array<i32>} : memref<31264xf32, #tpu.memory_space<vmem>>, vector<16xf32>,
      %swap3A_627 = vector.shape_cast %swap3A_626 : vector<16xf32> to vector<16xf32>
      %swap3A_628 = vector.shape_cast %broadcast_in_dim3A_552 : vector<16xf32> to vector<16xf32>
      tpu.vector_store %arg8[%swap3A_625], %swap3A_628 {strides = array<i32>} : memref<31264xf32, #tpu.memory_space<vmem>>, vector<16xf32>,
      %swap3A_629 = arith.constant 31120 : index
      %swap3A_630 = tpu.vector_load %arg8[%swap3A_629] {strides = array<i32>} : memref<31264xf32, #tpu.memory_space<vmem>>, vector<16xf32>,
      %swap3A_631 = vector.shape_cast %swap3A_630 : vector<16xf32> to vector<16xf32>
      %swap3A_632 = vector.shape_cast %broadcast_in_dim3A_552 : vector<16xf32> to vector<16xf32>
      tpu.vector_store %arg8[%swap3A_629], %swap3A_632 {strides = array<i32>} : memref<31264xf32, #tpu.memory_space<vmem>>, vector<16xf32>,
      %swap3A_633 = arith.constant 31136 : index
      %swap3A_634 = tpu.vector_load %arg8[%swap3A_633] {strides = array<i32>} : memref<31264xf32, #tpu.memory_space<vmem>>, vector<16xf32>,
      %swap3A_635 = vector.shape_cast %swap3A_634 : vector<16xf32> to vector<16xf32>
      %swap3A_636 = vector.shape_cast %broadcast_in_dim3A_552 : vector<16xf32> to vector<16xf32>
      tpu.vector_store %arg8[%swap3A_633], %swap3A_636 {strides = array<i32>} : memref<31264xf32, #tpu.memory_space<vmem>>, vector<16xf32>,
      %swap3A_637 = arith.constant 31152 : index
      %swap3A_638 = tpu.vector_load %arg8[%swap3A_637] {strides = array<i32>} : memref<31264xf32, #tpu.memory_space<vmem>>, vector<16xf32>,
      %swap3A_639 = vector.shape_cast %swap3A_638 : vector<16xf32> to vector<16xf32>
      %swap3A_640 = vector.shape_cast %broadcast_in_dim3A_552 : vector<16xf32> to vector<16xf32>
      tpu.vector_store %arg8[%swap3A_637], %swap3A_640 {strides = array<i32>} : memref<31264xf32, #tpu.memory_space<vmem>>, vector<16xf32>,
      %swap3A_641 = arith.constant 31168 : index
      %swap3A_642 = tpu.vector_load %arg8[%swap3A_641] {strides = array<i32>} : memref<31264xf32, #tpu.memory_space<vmem>>, vector<16xf32>,
      %swap3A_643 = vector.shape_cast %swap3A_642 : vector<16xf32> to vector<16xf32>
      %swap3A_644 = vector.shape_cast %broadcast_in_dim3A_552 : vector<16xf32> to vector<16xf32>
      tpu.vector_store %arg8[%swap3A_641], %swap3A_644 {strides = array<i32>} : memref<31264xf32, #tpu.memory_space<vmem>>, vector<16xf32>,
      %swap3A_645 = arith.constant 31184 : index
      %swap3A_646 = tpu.vector_load %arg8[%swap3A_645] {strides = array<i32>} : memref<31264xf32, #tpu.memory_space<vmem>>, vector<16xf32>,
      %swap3A_647 = vector.shape_cast %swap3A_646 : vector<16xf32> to vector<16xf32>
      %swap3A_648 = vector.shape_cast %broadcast_in_dim3A_552 : vector<16xf32> to vector<16xf32>
      tpu.vector_store %arg8[%swap3A_645], %swap3A_648 {strides = array<i32>} : memref<31264xf32, #tpu.memory_space<vmem>>, vector<16xf32>,
      %swap3A_649 = arith.constant 31200 : index
      %swap3A_650 = tpu.vector_load %arg8[%swap3A_649] {strides = array<i32>} : memref<31264xf32, #tpu.memory_space<vmem>>, vector<16xf32>,
      %swap3A_651 = vector.shape_cast %swap3A_650 : vector<16xf32> to vector<16xf32>
      %swap3A_652 = vector.shape_cast %broadcast_in_dim3A_552 : vector<16xf32> to vector<16xf32>
      tpu.vector_store %arg8[%swap3A_649], %swap3A_652 {strides = array<i32>} : memref<31264xf32, #tpu.memory_space<vmem>>, vector<16xf32>,
      %swap3A_653 = arith.constant 31216 : index
      %swap3A_654 = tpu.vector_load %arg8[%swap3A_653] {strides = array<i32>} : memref<31264xf32, #tpu.memory_space<vmem>>, vector<16xf32>,
      %swap3A_655 = vector.shape_cast %swap3A_654 : vector<16xf32> to vector<16xf32>
      %swap3A_656 = vector.shape_cast %broadcast_in_dim3A_552 : vector<16xf32> to vector<16xf32>
      tpu.vector_store %arg8[%swap3A_653], %swap3A_656 {strides = array<i32>} : memref<31264xf32, #tpu.memory_space<vmem>>, vector<16xf32>,
      %swap3A_657 = arith.constant 31232 : index
      %swap3A_658 = tpu.vector_load %arg8[%swap3A_657] {strides = array<i32>} : memref<31264xf32, #tpu.memory_space<vmem>>, vector<16xf32>,
      %swap3A_659 = vector.shape_cast %swap3A_658 : vector<16xf32> to vector<16xf32>
      %swap3A_660 = vector.shape_cast %broadcast_in_dim3A_552 : vector<16xf32> to vector<16xf32>
      tpu.vector_store %arg8[%swap3A_657], %swap3A_660 {strides = array<i32>} : memref<31264xf32, #tpu.memory_space<vmem>>, vector<16xf32>,
      %swap3A_661 = arith.constant 31248 : index
      %swap3A_662 = tpu.vector_load %arg8[%swap3A_661] {strides = array<i32>} : memref<31264xf32, #tpu.memory_space<vmem>>, vector<16xf32>,
      %swap3A_663 = vector.shape_cast %swap3A_662 : vector<16xf32> to vector<16xf32>
      %swap3A_664 = vector.shape_cast %broadcast_in_dim3A_552 : vector<16xf32> to vector<16xf32>
      tpu.vector_store %arg8[%swap3A_661], %swap3A_664 {strides = array<i32>} : memref<31264xf32, #tpu.memory_space<vmem>>, vector<16xf32>,
    } else {
    }
    %dma_wait3A = tpu.memref_slice %arg3[%mul3A_2] : memref<16384xi32, #tpu.memory_space<hbm>> -> memref<512xi32, #tpu.memory_space<hbm>>
    %dma_wait3A_18 = tpu.memref_slice %arg3[%mul3A_2] : memref<16384xi32, #tpu.memory_space<hbm>> -> memref<512xi32, #tpu.memory_space<hbm>>
    tpu.wait_dma2 semaphore(%arg20 : memref<!tpu.dma_semaphore, #tpu.memory_space<semaphore_mem>>) src(%dma_wait3A_18 : memref<512xi32, #tpu.memory_space<hbm>>) dst(%arg6 : memref<512xi32, #tpu.memory_space<vmem>>)
    %dma_start3A_19 = arith.constant 0 : i32
    %dma_start3A_20 = tpu.memref_slice %arg7[%dma_start3A_19] : memref<512xf32, #tpu.memory_space<vmem>> -> memref<128xf32, #tpu.memory_space<vmem>>
    %dma_start3A_21 = arith.constant 0 : i32
    %dma_start3A_22 = tpu.memref_slice %arg6[%dma_start3A_21] : memref<512xi32, #tpu.memory_space<vmem>> -> memref<128xi32, #tpu.memory_space<vmem>>
    %dma_start3A_23 = arith.constant 0 : i32
    %dma_start3A_24 = tpu.memref_slice %arg2[%dma_start3A_23] : memref<1000000xf32, #tpu.memory_space<hbm>> -> memref<1000000xf32, #tpu.memory_space<hbm>>
    tpu.enqueue_indirect_dma source(%dma_start3A_24 : memref<1000000xf32, #tpu.memory_space<hbm>>) target(%dma_start3A_20 : memref<128xf32, #tpu.memory_space<vmem>>) offsets(%dma_start3A_22 : memref<128xi32, #tpu.memory_space<vmem>>) semaphore(%arg21 : memref<!tpu.dma_semaphore, #tpu.memory_space<semaphore_mem>>)
    %dma_start3A_25 = arith.constant 128 : i32
    %dma_start3A_26 = tpu.memref_slice %arg7[%dma_start3A_25] : memref<512xf32, #tpu.memory_space<vmem>> -> memref<128xf32, #tpu.memory_space<vmem>>
    %dma_start3A_27 = arith.constant 128 : i32
    %dma_start3A_28 = tpu.memref_slice %arg6[%dma_start3A_27] : memref<512xi32, #tpu.memory_space<vmem>> -> memref<128xi32, #tpu.memory_space<vmem>>
    %dma_start3A_29 = arith.constant 0 : i32
    %dma_start3A_30 = tpu.memref_slice %arg2[%dma_start3A_29] : memref<1000000xf32, #tpu.memory_space<hbm>> -> memref<1000000xf32, #tpu.memory_space<hbm>>
    tpu.enqueue_indirect_dma source(%dma_start3A_30 : memref<1000000xf32, #tpu.memory_space<hbm>>) target(%dma_start3A_26 : memref<128xf32, #tpu.memory_space<vmem>>) offsets(%dma_start3A_28 : memref<128xi32, #tpu.memory_space<vmem>>) semaphore(%arg21 : memref<!tpu.dma_semaphore, #tpu.memory_space<semaphore_mem>>)
    %dma_start3A_31 = arith.constant 256 : i32
    %dma_start3A_32 = tpu.memref_slice %arg7[%dma_start3A_31] : memref<512xf32, #tpu.memory_space<vmem>> -> memref<128xf32, #tpu.memory_space<vmem>>
    %dma_start3A_33 = arith.constant 256 : i32
    %dma_start3A_34 = tpu.memref_slice %arg6[%dma_start3A_33] : memref<512xi32, #tpu.memory_space<vmem>> -> memref<128xi32, #tpu.memory_space<vmem>>
    %dma_start3A_35 = arith.constant 0 : i32
    %dma_start3A_36 = tpu.memref_slice %arg2[%dma_start3A_35] : memref<1000000xf32, #tpu.memory_space<hbm>> -> memref<1000000xf32, #tpu.memory_space<hbm>>
    tpu.enqueue_indirect_dma source(%dma_start3A_36 : memref<1000000xf32, #tpu.memory_space<hbm>>) target(%dma_start3A_32 : memref<128xf32, #tpu.memory_space<vmem>>) offsets(%dma_start3A_34 : memref<128xi32, #tpu.memory_space<vmem>>) semaphore(%arg21 : memref<!tpu.dma_semaphore, #tpu.memory_space<semaphore_mem>>)
    %dma_start3A_37 = arith.constant 384 : i32
    %dma_start3A_38 = tpu.memref_slice %arg7[%dma_start3A_37] : memref<512xf32, #tpu.memory_space<vmem>> -> memref<128xf32, #tpu.memory_space<vmem>>
    %dma_start3A_39 = arith.constant 384 : i32
    %dma_start3A_40 = tpu.memref_slice %arg6[%dma_start3A_39] : memref<512xi32, #tpu.memory_space<vmem>> -> memref<128xi32, #tpu.memory_space<vmem>>
    %dma_start3A_41 = arith.constant 0 : i32
    %dma_start3A_42 = tpu.memref_slice %arg2[%dma_start3A_41] : memref<1000000xf32, #tpu.memory_space<hbm>> -> memref<1000000xf32, #tpu.memory_space<hbm>>
    tpu.enqueue_indirect_dma source(%dma_start3A_42 : memref<1000000xf32, #tpu.memory_space<hbm>>) target(%dma_start3A_38 : memref<128xf32, #tpu.memory_space<vmem>>) offsets(%dma_start3A_40 : memref<128xi32, #tpu.memory_space<vmem>>) semaphore(%arg21 : memref<!tpu.dma_semaphore, #tpu.memory_space<semaphore_mem>>)
    %broadcast_in_dim3A = arith.constant 0xFF800000 : f32
    %broadcast_in_dim3A_43 = vector.broadcast %broadcast_in_dim3A : f32 to vector<16xf32>
    %dma_wait3A_44 = arith.constant 0 : i32
    %dma_wait3A_45 = tpu.memref_slice %arg8[%dma_wait3A_44] : memref<31264xf32, #tpu.memory_space<vmem>> -> memref<15632xf32, #tpu.memory_space<vmem>>
    %dma_wait3A_46 = tpu.memref_slice %arg2[%mul3A_5] : memref<1000000xf32, #tpu.memory_space<hbm>> -> memref<15632xf32, #tpu.memory_space<hbm>>
    %dma_wait3A_47 = arith.constant 0 : i32
    %dma_wait3A_48 = tpu.memref_slice %arg8[%dma_wait3A_47] : memref<31264xf32, #tpu.memory_space<vmem>> -> memref<15632xf32, #tpu.memory_space<vmem>>
    %dma_wait3A_49 = tpu.memref_slice %arg2[%mul3A_5] : memref<1000000xf32, #tpu.memory_space<hbm>> -> memref<15632xf32, #tpu.memory_space<hbm>>
    tpu.wait_dma2 semaphore(%arg22 : memref<!tpu.dma_semaphore, #tpu.memory_space<semaphore_mem>>) src(%dma_wait3A_49 : memref<15632xf32, #tpu.memory_space<hbm>>) dst(%dma_wait3A_48 : memref<15632xf32, #tpu.memory_space<vmem>>)
    %scan3A = arith.constant 0 : i32
    %scan3A_50 = arith.constant 61 : i32
    %scan3A_51 = arith.addi %scan3A, %scan3A_50 : i32
    %scan3A_52 = arith.constant 1 : i32
    %scan3A_53:16 = scf.for %scan3A_543 = %scan3A to %scan3A_51 step %scan3A_52 iter_args(%scan3A_544 = %broadcast_in_dim3A_43, %scan3A_545 = %broadcast_in_dim3A_43, %scan3A_546 = %broadcast_in_dim3A_43, %scan3A_547 = %broadcast_in_dim3A_43, %scan3A_548 = %broadcast_in_dim3A_43, %scan3A_549 = %broadcast_in_dim3A_43, %scan3A_550 = %broadcast_in_dim3A_43, %scan3A_551 = %broadcast_in_dim3A_43, %scan3A_552 = %broadcast_in_dim3A_43, %scan3A_553 = %broadcast_in_dim3A_43, %scan3A_554 = %broadcast_in_dim3A_43, %scan3A_555 = %broadcast_in_dim3A_43, %scan3A_556 = %broadcast_in_dim3A_43, %scan3A_557 = %broadcast_in_dim3A_43, %scan3A_558 = %broadcast_in_dim3A_43, %scan3A_559 = %broadcast_in_dim3A_43) -> (vector<16xf32>, vector<16xf32>, vector<16xf32>, vector<16xf32>, vector<16xf32>, vector<16xf32>, vector<16xf32>, vector<16xf32>, vector<16xf32>, vector<16xf32>, vector<16xf32>, vector<16xf32>, vector<16xf32>, vector<16xf32>, vector<16xf32>, vector<16xf32>)  : i32 {
      %mul3A_560 = arith.constant 256 : i32
      %mul3A_561 = arith.muli %scan3A_543, %mul3A_560 : i32
      %add3A_562 = arith.constant 0 : i32
      %add3A_563 = arith.addi %add3A_562, %mul3A_561 : i32
      %add3A_564 = arith.constant 0 : i32
      %add3A_565 = arith.addi %add3A_563, %add3A_564 : i32
      %get3A_566 = arith.index_cast %add3A_565 : i32 to index
      %get3A_567 = tpu.vector_load %arg8[%get3A_566] {strides = array<i32>} : memref<31264xf32, #tpu.memory_space<vmem>>, vector<16xf32>,
      %get3A_568 = vector.shape_cast %get3A_567 : vector<16xf32> to vector<16xf32>
      %max3A_569 = arith.maximumf %scan3A_544, %get3A_568 : vector<16xf32>
      %add3A_570 = arith.constant 16 : i32
      %add3A_571 = arith.addi %add3A_563, %add3A_570 : i32
      %get3A_572 = arith.index_cast %add3A_571 : i32 to index
      %get3A_573 = tpu.vector_load %arg8[%get3A_572] {strides = array<i32>} : memref<31264xf32, #tpu.memory_space<vmem>>, vector<16xf32>,
      %get3A_574 = vector.shape_cast %get3A_573 : vector<16xf32> to vector<16xf32>
      %max3A_575 = arith.maximumf %scan3A_545, %get3A_574 : vector<16xf32>
      %add3A_576 = arith.constant 32 : i32
      %add3A_577 = arith.addi %add3A_563, %add3A_576 : i32
      %get3A_578 = arith.index_cast %add3A_577 : i32 to index
      %get3A_579 = tpu.vector_load %arg8[%get3A_578] {strides = array<i32>} : memref<31264xf32, #tpu.memory_space<vmem>>, vector<16xf32>,
      %get3A_580 = vector.shape_cast %get3A_579 : vector<16xf32> to vector<16xf32>
      %max3A_581 = arith.maximumf %scan3A_546, %get3A_580 : vector<16xf32>
      %add3A_582 = arith.constant 48 : i32
      %add3A_583 = arith.addi %add3A_563, %add3A_582 : i32
      %get3A_584 = arith.index_cast %add3A_583 : i32 to index
      %get3A_585 = tpu.vector_load %arg8[%get3A_584] {strides = array<i32>} : memref<31264xf32, #tpu.memory_space<vmem>>, vector<16xf32>,
      %get3A_586 = vector.shape_cast %get3A_585 : vector<16xf32> to vector<16xf32>
      %max3A_587 = arith.maximumf %scan3A_547, %get3A_586 : vector<16xf32>
      %add3A_588 = arith.constant 64 : i32
      %add3A_589 = arith.addi %add3A_563, %add3A_588 : i32
      %get3A_590 = arith.index_cast %add3A_589 : i32 to index
      %get3A_591 = tpu.vector_load %arg8[%get3A_590] {strides = array<i32>} : memref<31264xf32, #tpu.memory_space<vmem>>, vector<16xf32>,
      %get3A_592 = vector.shape_cast %get3A_591 : vector<16xf32> to vector<16xf32>
      %max3A_593 = arith.maximumf %scan3A_548, %get3A_592 : vector<16xf32>
      %add3A_594 = arith.constant 80 : i32
      %add3A_595 = arith.addi %add3A_563, %add3A_594 : i32
      %get3A_596 = arith.index_cast %add3A_595 : i32 to index
      %get3A_597 = tpu.vector_load %arg8[%get3A_596] {strides = array<i32>} : memref<31264xf32, #tpu.memory_space<vmem>>, vector<16xf32>,
      %get3A_598 = vector.shape_cast %get3A_597 : vector<16xf32> to vector<16xf32>
      %max3A_599 = arith.maximumf %scan3A_549, %get3A_598 : vector<16xf32>
      %add3A_600 = arith.constant 96 : i32
      %add3A_601 = arith.addi %add3A_563, %add3A_600 : i32
      %get3A_602 = arith.index_cast %add3A_601 : i32 to index
      %get3A_603 = tpu.vector_load %arg8[%get3A_602] {strides = array<i32>} : memref<31264xf32, #tpu.memory_space<vmem>>, vector<16xf32>,
      %get3A_604 = vector.shape_cast %get3A_603 : vector<16xf32> to vector<16xf32>
      %max3A_605 = arith.maximumf %scan3A_550, %get3A_604 : vector<16xf32>
      %add3A_606 = arith.constant 112 : i32
      %add3A_607 = arith.addi %add3A_563, %add3A_606 : i32
      %get3A_608 = arith.index_cast %add3A_607 : i32 to index
      %get3A_609 = tpu.vector_load %arg8[%get3A_608] {strides = array<i32>} : memref<31264xf32, #tpu.memory_space<vmem>>, vector<16xf32>,
      %get3A_610 = vector.shape_cast %get3A_609 : vector<16xf32> to vector<16xf32>
      %max3A_611 = arith.maximumf %scan3A_551, %get3A_610 : vector<16xf32>
      %add3A_612 = arith.constant 128 : i32
      %add3A_613 = arith.addi %add3A_563, %add3A_612 : i32
      %get3A_614 = arith.index_cast %add3A_613 : i32 to index
      %get3A_615 = tpu.vector_load %arg8[%get3A_614] {strides = array<i32>} : memref<31264xf32, #tpu.memory_space<vmem>>, vector<16xf32>,
      %get3A_616 = vector.shape_cast %get3A_615 : vector<16xf32> to vector<16xf32>
      %max3A_617 = arith.maximumf %scan3A_552, %get3A_616 : vector<16xf32>
      %add3A_618 = arith.constant 144 : i32
      %add3A_619 = arith.addi %add3A_563, %add3A_618 : i32
      %get3A_620 = arith.index_cast %add3A_619 : i32 to index
      %get3A_621 = tpu.vector_load %arg8[%get3A_620] {strides = array<i32>} : memref<31264xf32, #tpu.memory_space<vmem>>, vector<16xf32>,
      %get3A_622 = vector.shape_cast %get3A_621 : vector<16xf32> to vector<16xf32>
      %max3A_623 = arith.maximumf %scan3A_553, %get3A_622 : vector<16xf32>
      %add3A_624 = arith.constant 160 : i32
      %add3A_625 = arith.addi %add3A_563, %add3A_624 : i32
      %get3A_626 = arith.index_cast %add3A_625 : i32 to index
      %get3A_627 = tpu.vector_load %arg8[%get3A_626] {strides = array<i32>} : memref<31264xf32, #tpu.memory_space<vmem>>, vector<16xf32>,
      %get3A_628 = vector.shape_cast %get3A_627 : vector<16xf32> to vector<16xf32>
      %max3A_629 = arith.maximumf %scan3A_554, %get3A_628 : vector<16xf32>
      %add3A_630 = arith.constant 176 : i32
      %add3A_631 = arith.addi %add3A_563, %add3A_630 : i32
      %get3A_632 = arith.index_cast %add3A_631 : i32 to index
      %get3A_633 = tpu.vector_load %arg8[%get3A_632] {strides = array<i32>} : memref<31264xf32, #tpu.memory_space<vmem>>, vector<16xf32>,
      %get3A_634 = vector.shape_cast %get3A_633 : vector<16xf32> to vector<16xf32>
      %max3A_635 = arith.maximumf %scan3A_555, %get3A_634 : vector<16xf32>
      %add3A_636 = arith.constant 192 : i32
      %add3A_637 = arith.addi %add3A_563, %add3A_636 : i32
      %get3A_638 = arith.index_cast %add3A_637 : i32 to index
      %get3A_639 = tpu.vector_load %arg8[%get3A_638] {strides = array<i32>} : memref<31264xf32, #tpu.memory_space<vmem>>, vector<16xf32>,
      %get3A_640 = vector.shape_cast %get3A_639 : vector<16xf32> to vector<16xf32>
      %max3A_641 = arith.maximumf %scan3A_556, %get3A_640 : vector<16xf32>
      %add3A_642 = arith.constant 208 : i32
      %add3A_643 = arith.addi %add3A_563, %add3A_642 : i32
      %get3A_644 = arith.index_cast %add3A_643 : i32 to index
      %get3A_645 = tpu.vector_load %arg8[%get3A_644] {strides = array<i32>} : memref<31264xf32, #tpu.memory_space<vmem>>, vector<16xf32>,
      %get3A_646 = vector.shape_cast %get3A_645 : vector<16xf32> to vector<16xf32>
      %max3A_647 = arith.maximumf %scan3A_557, %get3A_646 : vector<16xf32>
      %add3A_648 = arith.constant 224 : i32
      %add3A_649 = arith.addi %add3A_563, %add3A_648 : i32
      %get3A_650 = arith.index_cast %add3A_649 : i32 to index
      %get3A_651 = tpu.vector_load %arg8[%get3A_650] {strides = array<i32>} : memref<31264xf32, #tpu.memory_space<vmem>>, vector<16xf32>,
      %get3A_652 = vector.shape_cast %get3A_651 : vector<16xf32> to vector<16xf32>
      %max3A_653 = arith.maximumf %scan3A_558, %get3A_652 : vector<16xf32>
      %add3A_654 = arith.constant 240 : i32
      %add3A_655 = arith.addi %add3A_563, %add3A_654 : i32
      %get3A_656 = arith.index_cast %add3A_655 : i32 to index
      %get3A_657 = tpu.vector_load %arg8[%get3A_656] {strides = array<i32>} : memref<31264xf32, #tpu.memory_space<vmem>>, vector<16xf32>,
      %get3A_658 = vector.shape_cast %get3A_657 : vector<16xf32> to vector<16xf32>
      %max3A_659 = arith.maximumf %scan3A_559, %get3A_658 : vector<16xf32>
      scf.yield %max3A_569, %max3A_575, %max3A_581, %max3A_587, %max3A_593, %max3A_599, %max3A_605, %max3A_611, %max3A_617, %max3A_623, %max3A_629, %max3A_635, %max3A_641, %max3A_647, %max3A_653, %max3A_659 : vector<16xf32>, vector<16xf32>, vector<16xf32>, vector<16xf32>, vector<16xf32>, vector<16xf32>, vector<16xf32>, vector<16xf32>, vector<16xf32>, vector<16xf32>, vector<16xf32>, vector<16xf32>, vector<16xf32>, vector<16xf32>, vector<16xf32>, vector<16xf32>
    }
    %scan3A_54 = arith.constant 61 : i32
    %lt3A_55 = arith.constant 31 : i32
    %lt3A_56 = arith.cmpi slt, %add3A, %lt3A_55 : i32
    %convert_element_type3A_57 = arith.extui %lt3A_56 : i1 to i32
    %cond3A_58 = arith.constant 0 : i32
    %cond3A_59 = arith.cmpi ne, %convert_element_type3A_57, %cond3A_58 : i32
    scf.if %cond3A_59 {
      %dma_wait3A_543 = arith.constant 15632 : i32
      %dma_wait3A_544 = tpu.memref_slice %arg8[%dma_wait3A_543] : memref<31264xf32, #tpu.memory_space<vmem>> -> memref<15632xf32, #tpu.memory_space<vmem>>
      %dma_wait3A_545 = arith.constant 0 : i32
      %dma_wait3A_546 = tpu.memref_slice %arg2[%dma_wait3A_545] : memref<1000000xf32, #tpu.memory_space<hbm>> -> memref<15632xf32, #tpu.memory_space<hbm>>
      %dma_wait3A_547 = arith.constant 15632 : i32
      %dma_wait3A_548 = tpu.memref_slice %arg8[%dma_wait3A_547] : memref<31264xf32, #tpu.memory_space<vmem>> -> memref<15632xf32, #tpu.memory_space<vmem>>
      %dma_wait3A_549 = arith.constant 0 : i32
      %dma_wait3A_550 = tpu.memref_slice %arg2[%dma_wait3A_549] : memref<1000000xf32, #tpu.memory_space<hbm>> -> memref<15632xf32, #tpu.memory_space<hbm>>
      tpu.wait_dma2 semaphore(%arg23 : memref<!tpu.dma_semaphore, #tpu.memory_space<semaphore_mem>>) src(%dma_wait3A_550 : memref<15632xf32, #tpu.memory_space<hbm>>) dst(%dma_wait3A_548 : memref<15632xf32, #tpu.memory_space<vmem>>)
    } else {
    }
    %eq3A_60 = arith.constant 31 : i32
    %eq3A_61 = arith.cmpi eq, %add3A, %eq3A_60 : i32
    %convert_element_type3A_62 = arith.extui %eq3A_61 : i1 to i32
    %cond3A_63 = arith.constant 0 : i32
    %cond3A_64 = arith.cmpi ne, %convert_element_type3A_62, %cond3A_63 : i32
    scf.if %cond3A_64 {
      %dma_wait3A_543 = arith.constant 15632 : i32
      %dma_wait3A_544 = tpu.memref_slice %arg8[%dma_wait3A_543] : memref<31264xf32, #tpu.memory_space<vmem>> -> memref<15184xf32, #tpu.memory_space<vmem>>
      %dma_wait3A_545 = arith.constant 0 : i32
      %dma_wait3A_546 = tpu.memref_slice %arg2[%dma_wait3A_545] : memref<1000000xf32, #tpu.memory_space<hbm>> -> memref<15184xf32, #tpu.memory_space<hbm>>
      %dma_wait3A_547 = arith.constant 15632 : i32
      %dma_wait3A_548 = tpu.memref_slice %arg8[%dma_wait3A_547] : memref<31264xf32, #tpu.memory_space<vmem>> -> memref<15184xf32, #tpu.memory_space<vmem>>
      %dma_wait3A_549 = arith.constant 0 : i32
      %dma_wait3A_550 = tpu.memref_slice %arg2[%dma_wait3A_549] : memref<1000000xf32, #tpu.memory_space<hbm>> -> memref<15184xf32, #tpu.memory_space<hbm>>
      tpu.wait_dma2 semaphore(%arg23 : memref<!tpu.dma_semaphore, #tpu.memory_space<semaphore_mem>>) src(%dma_wait3A_550 : memref<15184xf32, #tpu.memory_space<hbm>>) dst(%dma_wait3A_548 : memref<15184xf32, #tpu.memory_space<vmem>>)
    } else {
    }
    %scan3A_65 = arith.constant 0 : i32
    %scan3A_66 = arith.constant 61 : i32
    %scan3A_67 = arith.addi %scan3A_65, %scan3A_66 : i32
    %scan3A_68 = arith.constant 1 : i32
    %scan3A_69:16 = scf.for %scan3A_543 = %scan3A_65 to %scan3A_67 step %scan3A_68 iter_args(%scan3A_544 = %scan3A_53#0, %scan3A_545 = %scan3A_53#1, %scan3A_546 = %scan3A_53#2, %scan3A_547 = %scan3A_53#3, %scan3A_548 = %scan3A_53#4, %scan3A_549 = %scan3A_53#5, %scan3A_550 = %scan3A_53#6, %scan3A_551 = %scan3A_53#7, %scan3A_552 = %scan3A_53#8, %scan3A_553 = %scan3A_53#9, %scan3A_554 = %scan3A_53#10, %scan3A_555 = %scan3A_53#11, %scan3A_556 = %scan3A_53#12, %scan3A_557 = %scan3A_53#13, %scan3A_558 = %scan3A_53#14, %scan3A_559 = %scan3A_53#15) -> (vector<16xf32>, vector<16xf32>, vector<16xf32>, vector<16xf32>, vector<16xf32>, vector<16xf32>, vector<16xf32>, vector<16xf32>, vector<16xf32>, vector<16xf32>, vector<16xf32>, vector<16xf32>, vector<16xf32>, vector<16xf32>, vector<16xf32>, vector<16xf32>)  : i32 {
      %mul3A_560 = arith.constant 256 : i32
      %mul3A_561 = arith.muli %scan3A_543, %mul3A_560 : i32
      %add3A_562 = arith.constant 15616 : i32
      %add3A_563 = arith.addi %add3A_562, %mul3A_561 : i32
      %add3A_564 = arith.constant 0 : i32
      %add3A_565 = arith.addi %add3A_563, %add3A_564 : i32
      %get3A_566 = arith.index_cast %add3A_565 : i32 to index
      %get3A_567 = tpu.vector_load %arg8[%get3A_566] {strides = array<i32>} : memref<31264xf32, #tpu.memory_space<vmem>>, vector<16xf32>,
      %get3A_568 = vector.shape_cast %get3A_567 : vector<16xf32> to vector<16xf32>
      %max3A_569 = arith.maximumf %scan3A_544, %get3A_568 : vector<16xf32>
      %add3A_570 = arith.constant 16 : i32
      %add3A_571 = arith.addi %add3A_563, %add3A_570 : i32
      %get3A_572 = arith.index_cast %add3A_571 : i32 to index
      %get3A_573 = tpu.vector_load %arg8[%get3A_572] {strides = array<i32>} : memref<31264xf32, #tpu.memory_space<vmem>>, vector<16xf32>,
      %get3A_574 = vector.shape_cast %get3A_573 : vector<16xf32> to vector<16xf32>
      %max3A_575 = arith.maximumf %scan3A_545, %get3A_574 : vector<16xf32>
      %add3A_576 = arith.constant 32 : i32
      %add3A_577 = arith.addi %add3A_563, %add3A_576 : i32
      %get3A_578 = arith.index_cast %add3A_577 : i32 to index
      %get3A_579 = tpu.vector_load %arg8[%get3A_578] {strides = array<i32>} : memref<31264xf32, #tpu.memory_space<vmem>>, vector<16xf32>,
      %get3A_580 = vector.shape_cast %get3A_579 : vector<16xf32> to vector<16xf32>
      %max3A_581 = arith.maximumf %scan3A_546, %get3A_580 : vector<16xf32>
      %add3A_582 = arith.constant 48 : i32
      %add3A_583 = arith.addi %add3A_563, %add3A_582 : i32
      %get3A_584 = arith.index_cast %add3A_583 : i32 to index
      %get3A_585 = tpu.vector_load %arg8[%get3A_584] {strides = array<i32>} : memref<31264xf32, #tpu.memory_space<vmem>>, vector<16xf32>,
      %get3A_586 = vector.shape_cast %get3A_585 : vector<16xf32> to vector<16xf32>
      %max3A_587 = arith.maximumf %scan3A_547, %get3A_586 : vector<16xf32>
      %add3A_588 = arith.constant 64 : i32
      %add3A_589 = arith.addi %add3A_563, %add3A_588 : i32
      %get3A_590 = arith.index_cast %add3A_589 : i32 to index
      %get3A_591 = tpu.vector_load %arg8[%get3A_590] {strides = array<i32>} : memref<31264xf32, #tpu.memory_space<vmem>>, vector<16xf32>,
      %get3A_592 = vector.shape_cast %get3A_591 : vector<16xf32> to vector<16xf32>
      %max3A_593 = arith.maximumf %scan3A_548, %get3A_592 : vector<16xf32>
      %add3A_594 = arith.constant 80 : i32
      %add3A_595 = arith.addi %add3A_563, %add3A_594 : i32
      %get3A_596 = arith.index_cast %add3A_595 : i32 to index
      %get3A_597 = tpu.vector_load %arg8[%get3A_596] {strides = array<i32>} : memref<31264xf32, #tpu.memory_space<vmem>>, vector<16xf32>,
      %get3A_598 = vector.shape_cast %get3A_597 : vector<16xf32> to vector<16xf32>
      %max3A_599 = arith.maximumf %scan3A_549, %get3A_598 : vector<16xf32>
      %add3A_600 = arith.constant 96 : i32
      %add3A_601 = arith.addi %add3A_563, %add3A_600 : i32
      %get3A_602 = arith.index_cast %add3A_601 : i32 to index
      %get3A_603 = tpu.vector_load %arg8[%get3A_602] {strides = array<i32>} : memref<31264xf32, #tpu.memory_space<vmem>>, vector<16xf32>,
      %get3A_604 = vector.shape_cast %get3A_603 : vector<16xf32> to vector<16xf32>
      %max3A_605 = arith.maximumf %scan3A_550, %get3A_604 : vector<16xf32>
      %add3A_606 = arith.constant 112 : i32
      %add3A_607 = arith.addi %add3A_563, %add3A_606 : i32
      %get3A_608 = arith.index_cast %add3A_607 : i32 to index
      %get3A_609 = tpu.vector_load %arg8[%get3A_608] {strides = array<i32>} : memref<31264xf32, #tpu.memory_space<vmem>>, vector<16xf32>,
      %get3A_610 = vector.shape_cast %get3A_609 : vector<16xf32> to vector<16xf32>
      %max3A_611 = arith.maximumf %scan3A_551, %get3A_610 : vector<16xf32>
      %add3A_612 = arith.constant 128 : i32
      %add3A_613 = arith.addi %add3A_563, %add3A_612 : i32
      %get3A_614 = arith.index_cast %add3A_613 : i32 to index
      %get3A_615 = tpu.vector_load %arg8[%get3A_614] {strides = array<i32>} : memref<31264xf32, #tpu.memory_space<vmem>>, vector<16xf32>,
      %get3A_616 = vector.shape_cast %get3A_615 : vector<16xf32> to vector<16xf32>
      %max3A_617 = arith.maximumf %scan3A_552, %get3A_616 : vector<16xf32>
      %add3A_618 = arith.constant 144 : i32
      %add3A_619 = arith.addi %add3A_563, %add3A_618 : i32
      %get3A_620 = arith.index_cast %add3A_619 : i32 to index
      %get3A_621 = tpu.vector_load %arg8[%get3A_620] {strides = array<i32>} : memref<31264xf32, #tpu.memory_space<vmem>>, vector<16xf32>,
      %get3A_622 = vector.shape_cast %get3A_621 : vector<16xf32> to vector<16xf32>
      %max3A_623 = arith.maximumf %scan3A_553, %get3A_622 : vector<16xf32>
      %add3A_624 = arith.constant 160 : i32
      %add3A_625 = arith.addi %add3A_563, %add3A_624 : i32
      %get3A_626 = arith.index_cast %add3A_625 : i32 to index
      %get3A_627 = tpu.vector_load %arg8[%get3A_626] {strides = array<i32>} : memref<31264xf32, #tpu.memory_space<vmem>>, vector<16xf32>,
      %get3A_628 = vector.shape_cast %get3A_627 : vector<16xf32> to vector<16xf32>
      %max3A_629 = arith.maximumf %scan3A_554, %get3A_628 : vector<16xf32>
      %add3A_630 = arith.constant 176 : i32
      %add3A_631 = arith.addi %add3A_563, %add3A_630 : i32
      %get3A_632 = arith.index_cast %add3A_631 : i32 to index
      %get3A_633 = tpu.vector_load %arg8[%get3A_632] {strides = array<i32>} : memref<31264xf32, #tpu.memory_space<vmem>>, vector<16xf32>,
      %get3A_634 = vector.shape_cast %get3A_633 : vector<16xf32> to vector<16xf32>
      %max3A_635 = arith.maximumf %scan3A_555, %get3A_634 : vector<16xf32>
      %add3A_636 = arith.constant 192 : i32
      %add3A_637 = arith.addi %add3A_563, %add3A_636 : i32
      %get3A_638 = arith.index_cast %add3A_637 : i32 to index
      %get3A_639 = tpu.vector_load %arg8[%get3A_638] {strides = array<i32>} : memref<31264xf32, #tpu.memory_space<vmem>>, vector<16xf32>,
      %get3A_640 = vector.shape_cast %get3A_639 : vector<16xf32> to vector<16xf32>
      %max3A_641 = arith.maximumf %scan3A_556, %get3A_640 : vector<16xf32>
      %add3A_642 = arith.constant 208 : i32
      %add3A_643 = arith.addi %add3A_563, %add3A_642 : i32
      %get3A_644 = arith.index_cast %add3A_643 : i32 to index
      %get3A_645 = tpu.vector_load %arg8[%get3A_644] {strides = array<i32>} : memref<31264xf32, #tpu.memory_space<vmem>>, vector<16xf32>,
      %get3A_646 = vector.shape_cast %get3A_645 : vector<16xf32> to vector<16xf32>
      %max3A_647 = arith.maximumf %scan3A_557, %get3A_646 : vector<16xf32>
      %add3A_648 = arith.constant 224 : i32
      %add3A_649 = arith.addi %add3A_563, %add3A_648 : i32
      %get3A_650 = arith.index_cast %add3A_649 : i32 to index
      %get3A_651 = tpu.vector_load %arg8[%get3A_650] {strides = array<i32>} : memref<31264xf32, #tpu.memory_space<vmem>>, vector<16xf32>,
      %get3A_652 = vector.shape_cast %get3A_651 : vector<16xf32> to vector<16xf32>
      %max3A_653 = arith.maximumf %scan3A_558, %get3A_652 : vector<16xf32>
      %add3A_654 = arith.constant 240 : i32
      %add3A_655 = arith.addi %add3A_563, %add3A_654 : i32
      %get3A_656 = arith.index_cast %add3A_655 : i32 to index
      %get3A_657 = tpu.vector_load %arg8[%get3A_656] {strides = array<i32>} : memref<31264xf32, #tpu.memory_space<vmem>>, vector<16xf32>,
      %get3A_658 = vector.shape_cast %get3A_657 : vector<16xf32> to vector<16xf32>
      %max3A_659 = arith.maximumf %scan3A_559, %get3A_658 : vector<16xf32>
      scf.yield %max3A_569, %max3A_575, %max3A_581, %max3A_587, %max3A_593, %max3A_599, %max3A_605, %max3A_611, %max3A_617, %max3A_623, %max3A_629, %max3A_635, %max3A_641, %max3A_647, %max3A_653, %max3A_659 : vector<16xf32>, vector<16xf32>, vector<16xf32>, vector<16xf32>, vector<16xf32>, vector<16xf32>, vector<16xf32>, vector<16xf32>, vector<16xf32>, vector<16xf32>, vector<16xf32>, vector<16xf32>, vector<16xf32>, vector<16xf32>, vector<16xf32>, vector<16xf32>
    }
    %scan3A_70 = arith.constant 61 : i32
    %get3A = arith.constant 31232 : index
    %get3A_71 = tpu.vector_load %arg8[%get3A] {strides = array<i32>} : memref<31264xf32, #tpu.memory_space<vmem>>, vector<16xf32>,
    %get3A_72 = vector.shape_cast %get3A_71 : vector<16xf32> to vector<16xf32>
    %max3A = arith.maximumf %scan3A_69#0, %get3A_72 : vector<16xf32>
    %get3A_73 = arith.constant 31248 : index
    %get3A_74 = tpu.vector_load %arg8[%get3A_73] {strides = array<i32>} : memref<31264xf32, #tpu.memory_space<vmem>>, vector<16xf32>,
    %get3A_75 = vector.shape_cast %get3A_74 : vector<16xf32> to vector<16xf32>
    %max3A_76 = arith.maximumf %max3A, %get3A_75 : vector<16xf32>
    %max3A_77 = arith.maximumf %max3A_76, %scan3A_69#1 : vector<16xf32>
    %max3A_78 = arith.maximumf %max3A_77, %scan3A_69#2 : vector<16xf32>
    %max3A_79 = arith.maximumf %max3A_78, %scan3A_69#3 : vector<16xf32>
    %max3A_80 = arith.maximumf %max3A_79, %scan3A_69#4 : vector<16xf32>
    %max3A_81 = arith.maximumf %max3A_80, %scan3A_69#5 : vector<16xf32>
    %max3A_82 = arith.maximumf %max3A_81, %scan3A_69#6 : vector<16xf32>
    %max3A_83 = arith.maximumf %max3A_82, %scan3A_69#7 : vector<16xf32>
    %max3A_84 = arith.maximumf %max3A_83, %scan3A_69#8 : vector<16xf32>
    %max3A_85 = arith.maximumf %max3A_84, %scan3A_69#9 : vector<16xf32>
    %max3A_86 = arith.maximumf %max3A_85, %scan3A_69#10 : vector<16xf32>
    %max3A_87 = arith.maximumf %max3A_86, %scan3A_69#11 : vector<16xf32>
    %max3A_88 = arith.maximumf %max3A_87, %scan3A_69#12 : vector<16xf32>
    %max3A_89 = arith.maximumf %max3A_88, %scan3A_69#13 : vector<16xf32>
    %max3A_90 = arith.maximumf %max3A_89, %scan3A_69#14 : vector<16xf32>
    %max3A_91 = arith.maximumf %max3A_90, %scan3A_69#15 : vector<16xf32>
    %iota3A = tpu.iota {dimensions = array<i32: 0>} : vector<16xi32>
    %xor3A = arith.constant 8 : i32
    %xor3A_92 = vector.broadcast %xor3A : i32 to vector<16xi32>
    %xor3A_93 = arith.xori %iota3A, %xor3A_92 : vector<16xi32>
    %lt3A_94 = arith.constant 0 : i32
    %lt3A_95 = vector.broadcast %lt3A_94 : i32 to vector<16xi32>
    %lt3A_96 = arith.cmpi slt, %xor3A_93, %lt3A_95 : vector<16xi32>
    %add3A_97 = arith.constant 16 : i32
    %add3A_98 = vector.broadcast %add3A_97 : i32 to vector<16xi32>
    %add3A_99 = arith.addi %xor3A_93, %add3A_98 : vector<16xi32>
    %select_n3A = arith.select %lt3A_96, %add3A_99, %xor3A_93 : vector<16xi1>, vector<16xi32>
    %broadcast_in_dim3A_100 = vector.shape_cast %select_n3A : vector<16xi32> to vector<16x1xi32>
    %gather3A = vector.shape_cast %broadcast_in_dim3A_100 : vector<16x1xi32> to vector<16xi32>
    %gather3A_101 = tpu.dynamic_gather %max3A_91[%gather3A] in [0] : vector<16xf32>, vector<16xi32> -> vector<16xf32>
    %max3A_102 = arith.maximumf %max3A_91, %gather3A_101 : vector<16xf32>
    %iota3A_103 = tpu.iota {dimensions = array<i32: 0>} : vector<16xi32>
    %xor3A_104 = arith.constant 4 : i32
    %xor3A_105 = vector.broadcast %xor3A_104 : i32 to vector<16xi32>
    %xor3A_106 = arith.xori %iota3A_103, %xor3A_105 : vector<16xi32>
    %lt3A_107 = arith.constant 0 : i32
    %lt3A_108 = vector.broadcast %lt3A_107 : i32 to vector<16xi32>
    %lt3A_109 = arith.cmpi slt, %xor3A_106, %lt3A_108 : vector<16xi32>
    %add3A_110 = arith.constant 16 : i32
    %add3A_111 = vector.broadcast %add3A_110 : i32 to vector<16xi32>
    %add3A_112 = arith.addi %xor3A_106, %add3A_111 : vector<16xi32>
    %select_n3A_113 = arith.select %lt3A_109, %add3A_112, %xor3A_106 : vector<16xi1>, vector<16xi32>
    %broadcast_in_dim3A_114 = vector.shape_cast %select_n3A_113 : vector<16xi32> to vector<16x1xi32>
    %gather3A_115 = vector.shape_cast %broadcast_in_dim3A_114 : vector<16x1xi32> to vector<16xi32>
    %gather3A_116 = tpu.dynamic_gather %max3A_102[%gather3A_115] in [0] : vector<16xf32>, vector<16xi32> -> vector<16xf32>
    %max3A_117 = arith.maximumf %max3A_102, %gather3A_116 : vector<16xf32>
    %iota3A_118 = tpu.iota {dimensions = array<i32: 0>} : vector<16xi32>
    %xor3A_119 = arith.constant 2 : i32
    %xor3A_120 = vector.broadcast %xor3A_119 : i32 to vector<16xi32>
    %xor3A_121 = arith.xori %iota3A_118, %xor3A_120 : vector<16xi32>
    %lt3A_122 = arith.constant 0 : i32
    %lt3A_123 = vector.broadcast %lt3A_122 : i32 to vector<16xi32>
    %lt3A_124 = arith.cmpi slt, %xor3A_121, %lt3A_123 : vector<16xi32>
    %add3A_125 = arith.constant 16 : i32
    %add3A_126 = vector.broadcast %add3A_125 : i32 to vector<16xi32>
    %add3A_127 = arith.addi %xor3A_121, %add3A_126 : vector<16xi32>
    %select_n3A_128 = arith.select %lt3A_124, %add3A_127, %xor3A_121 : vector<16xi1>, vector<16xi32>
    %broadcast_in_dim3A_129 = vector.shape_cast %select_n3A_128 : vector<16xi32> to vector<16x1xi32>
    %gather3A_130 = vector.shape_cast %broadcast_in_dim3A_129 : vector<16x1xi32> to vector<16xi32>
    %gather3A_131 = tpu.dynamic_gather %max3A_117[%gather3A_130] in [0] : vector<16xf32>, vector<16xi32> -> vector<16xf32>
    %max3A_132 = arith.maximumf %max3A_117, %gather3A_131 : vector<16xf32>
    %iota3A_133 = tpu.iota {dimensions = array<i32: 0>} : vector<16xi32>
    %xor3A_134 = arith.constant 1 : i32
    %xor3A_135 = vector.broadcast %xor3A_134 : i32 to vector<16xi32>
    %xor3A_136 = arith.xori %iota3A_133, %xor3A_135 : vector<16xi32>
    %lt3A_137 = arith.constant 0 : i32
    %lt3A_138 = vector.broadcast %lt3A_137 : i32 to vector<16xi32>
    %lt3A_139 = arith.cmpi slt, %xor3A_136, %lt3A_138 : vector<16xi32>
    %add3A_140 = arith.constant 16 : i32
    %add3A_141 = vector.broadcast %add3A_140 : i32 to vector<16xi32>
    %add3A_142 = arith.addi %xor3A_136, %add3A_141 : vector<16xi32>
    %select_n3A_143 = arith.select %lt3A_139, %add3A_142, %xor3A_136 : vector<16xi1>, vector<16xi32>
    %broadcast_in_dim3A_144 = vector.shape_cast %select_n3A_143 : vector<16xi32> to vector<16x1xi32>
    %gather3A_145 = vector.shape_cast %broadcast_in_dim3A_144 : vector<16x1xi32> to vector<16xi32>
    %gather3A_146 = tpu.dynamic_gather %max3A_132[%gather3A_145] in [0] : vector<16xf32>, vector<16xi32> -> vector<16xf32>
    %max3A_147 = arith.maximumf %max3A_132, %gather3A_146 : vector<16xf32>
    %broadcast_in_dim3A_148 = arith.constant 0.000000e+00 : f32
    %broadcast_in_dim3A_149 = vector.broadcast %broadcast_in_dim3A_148 : f32 to vector<16xf32>
    %scan3A_150 = arith.constant 0 : i32
    %scan3A_151 = arith.constant 122 : i32
    %scan3A_152 = arith.addi %scan3A_150, %scan3A_151 : i32
    %scan3A_153 = arith.constant 1 : i32
    %scan3A_154:16 = scf.for %scan3A_543 = %scan3A_150 to %scan3A_152 step %scan3A_153 iter_args(%scan3A_544 = %broadcast_in_dim3A_149, %scan3A_545 = %broadcast_in_dim3A_149, %scan3A_546 = %broadcast_in_dim3A_149, %scan3A_547 = %broadcast_in_dim3A_149, %scan3A_548 = %broadcast_in_dim3A_149, %scan3A_549 = %broadcast_in_dim3A_149, %scan3A_550 = %broadcast_in_dim3A_149, %scan3A_551 = %broadcast_in_dim3A_149, %scan3A_552 = %broadcast_in_dim3A_149, %scan3A_553 = %broadcast_in_dim3A_149, %scan3A_554 = %broadcast_in_dim3A_149, %scan3A_555 = %broadcast_in_dim3A_149, %scan3A_556 = %broadcast_in_dim3A_149, %scan3A_557 = %broadcast_in_dim3A_149, %scan3A_558 = %broadcast_in_dim3A_149, %scan3A_559 = %broadcast_in_dim3A_149) -> (vector<16xf32>, vector<16xf32>, vector<16xf32>, vector<16xf32>, vector<16xf32>, vector<16xf32>, vector<16xf32>, vector<16xf32>, vector<16xf32>, vector<16xf32>, vector<16xf32>, vector<16xf32>, vector<16xf32>, vector<16xf32>, vector<16xf32>, vector<16xf32>)  : i32 {
      %mul3A_560 = arith.constant 256 : i32
      %mul3A_561 = arith.muli %scan3A_543, %mul3A_560 : i32
      %add3A_562 = arith.constant 0 : i32
      %add3A_563 = arith.addi %mul3A_561, %add3A_562 : i32
      %get3A_564 = arith.index_cast %add3A_563 : i32 to index
      %get3A_565 = tpu.vector_load %arg8[%get3A_564] {strides = array<i32>} : memref<31264xf32, #tpu.memory_space<vmem>>, vector<16xf32>,
      %get3A_566 = vector.shape_cast %get3A_565 : vector<16xf32> to vector<16xf32>
      %sub3A_567 = arith.subf %get3A_566, %max3A_147 : vector<16xf32>
      %exp3A_568 = math.exp %sub3A_567 : vector<16xf32>
      %add3A_569 = arith.addf %scan3A_544, %exp3A_568 : vector<16xf32>
      %add3A_570 = arith.constant 16 : i32
      %add3A_571 = arith.addi %mul3A_561, %add3A_570 : i32
      %get3A_572 = arith.index_cast %add3A_571 : i32 to index
      %get3A_573 = tpu.vector_load %arg8[%get3A_572] {strides = array<i32>} : memref<31264xf32, #tpu.memory_space<vmem>>, vector<16xf32>,
      %get3A_574 = vector.shape_cast %get3A_573 : vector<16xf32> to vector<16xf32>
      %sub3A_575 = arith.subf %get3A_574, %max3A_147 : vector<16xf32>
      %exp3A_576 = math.exp %sub3A_575 : vector<16xf32>
      %add3A_577 = arith.addf %scan3A_545, %exp3A_576 : vector<16xf32>
      %add3A_578 = arith.constant 32 : i32
      %add3A_579 = arith.addi %mul3A_561, %add3A_578 : i32
      %get3A_580 = arith.index_cast %add3A_579 : i32 to index
      %get3A_581 = tpu.vector_load %arg8[%get3A_580] {strides = array<i32>} : memref<31264xf32, #tpu.memory_space<vmem>>, vector<16xf32>,
      %get3A_582 = vector.shape_cast %get3A_581 : vector<16xf32> to vector<16xf32>
      %sub3A_583 = arith.subf %get3A_582, %max3A_147 : vector<16xf32>
      %exp3A_584 = math.exp %sub3A_583 : vector<16xf32>
      %add3A_585 = arith.addf %scan3A_546, %exp3A_584 : vector<16xf32>
      %add3A_586 = arith.constant 48 : i32
      %add3A_587 = arith.addi %mul3A_561, %add3A_586 : i32
      %get3A_588 = arith.index_cast %add3A_587 : i32 to index
      %get3A_589 = tpu.vector_load %arg8[%get3A_588] {strides = array<i32>} : memref<31264xf32, #tpu.memory_space<vmem>>, vector<16xf32>,
      %get3A_590 = vector.shape_cast %get3A_589 : vector<16xf32> to vector<16xf32>
      %sub3A_591 = arith.subf %get3A_590, %max3A_147 : vector<16xf32>
      %exp3A_592 = math.exp %sub3A_591 : vector<16xf32>
      %add3A_593 = arith.addf %scan3A_547, %exp3A_592 : vector<16xf32>
      %add3A_594 = arith.constant 64 : i32
      %add3A_595 = arith.addi %mul3A_561, %add3A_594 : i32
      %get3A_596 = arith.index_cast %add3A_595 : i32 to index
      %get3A_597 = tpu.vector_load %arg8[%get3A_596] {strides = array<i32>} : memref<31264xf32, #tpu.memory_space<vmem>>, vector<16xf32>,
      %get3A_598 = vector.shape_cast %get3A_597 : vector<16xf32> to vector<16xf32>
      %sub3A_599 = arith.subf %get3A_598, %max3A_147 : vector<16xf32>
      %exp3A_600 = math.exp %sub3A_599 : vector<16xf32>
      %add3A_601 = arith.addf %scan3A_548, %exp3A_600 : vector<16xf32>
      %add3A_602 = arith.constant 80 : i32
      %add3A_603 = arith.addi %mul3A_561, %add3A_602 : i32
      %get3A_604 = arith.index_cast %add3A_603 : i32 to index
      %get3A_605 = tpu.vector_load %arg8[%get3A_604] {strides = array<i32>} : memref<31264xf32, #tpu.memory_space<vmem>>, vector<16xf32>,
      %get3A_606 = vector.shape_cast %get3A_605 : vector<16xf32> to vector<16xf32>
      %sub3A_607 = arith.subf %get3A_606, %max3A_147 : vector<16xf32>
      %exp3A_608 = math.exp %sub3A_607 : vector<16xf32>
      %add3A_609 = arith.addf %scan3A_549, %exp3A_608 : vector<16xf32>
      %add3A_610 = arith.constant 96 : i32
      %add3A_611 = arith.addi %mul3A_561, %add3A_610 : i32
      %get3A_612 = arith.index_cast %add3A_611 : i32 to index
      %get3A_613 = tpu.vector_load %arg8[%get3A_612] {strides = array<i32>} : memref<31264xf32, #tpu.memory_space<vmem>>, vector<16xf32>,
      %get3A_614 = vector.shape_cast %get3A_613 : vector<16xf32> to vector<16xf32>
      %sub3A_615 = arith.subf %get3A_614, %max3A_147 : vector<16xf32>
      %exp3A_616 = math.exp %sub3A_615 : vector<16xf32>
      %add3A_617 = arith.addf %scan3A_550, %exp3A_616 : vector<16xf32>
      %add3A_618 = arith.constant 112 : i32
      %add3A_619 = arith.addi %mul3A_561, %add3A_618 : i32
      %get3A_620 = arith.index_cast %add3A_619 : i32 to index
      %get3A_621 = tpu.vector_load %arg8[%get3A_620] {strides = array<i32>} : memref<31264xf32, #tpu.memory_space<vmem>>, vector<16xf32>,
      %get3A_622 = vector.shape_cast %get3A_621 : vector<16xf32> to vector<16xf32>
      %sub3A_623 = arith.subf %get3A_622, %max3A_147 : vector<16xf32>
      %exp3A_624 = math.exp %sub3A_623 : vector<16xf32>
      %add3A_625 = arith.addf %scan3A_551, %exp3A_624 : vector<16xf32>
      %add3A_626 = arith.constant 128 : i32
      %add3A_627 = arith.addi %mul3A_561, %add3A_626 : i32
      %get3A_628 = arith.index_cast %add3A_627 : i32 to index
      %get3A_629 = tpu.vector_load %arg8[%get3A_628] {strides = array<i32>} : memref<31264xf32, #tpu.memory_space<vmem>>, vector<16xf32>,
      %get3A_630 = vector.shape_cast %get3A_629 : vector<16xf32> to vector<16xf32>
      %sub3A_631 = arith.subf %get3A_630, %max3A_147 : vector<16xf32>
      %exp3A_632 = math.exp %sub3A_631 : vector<16xf32>
      %add3A_633 = arith.addf %scan3A_552, %exp3A_632 : vector<16xf32>
      %add3A_634 = arith.constant 144 : i32
      %add3A_635 = arith.addi %mul3A_561, %add3A_634 : i32
      %get3A_636 = arith.index_cast %add3A_635 : i32 to index
      %get3A_637 = tpu.vector_load %arg8[%get3A_636] {strides = array<i32>} : memref<31264xf32, #tpu.memory_space<vmem>>, vector<16xf32>,
      %get3A_638 = vector.shape_cast %get3A_637 : vector<16xf32> to vector<16xf32>
      %sub3A_639 = arith.subf %get3A_638, %max3A_147 : vector<16xf32>
      %exp3A_640 = math.exp %sub3A_639 : vector<16xf32>
      %add3A_641 = arith.addf %scan3A_553, %exp3A_640 : vector<16xf32>
      %add3A_642 = arith.constant 160 : i32
      %add3A_643 = arith.addi %mul3A_561, %add3A_642 : i32
      %get3A_644 = arith.index_cast %add3A_643 : i32 to index
      %get3A_645 = tpu.vector_load %arg8[%get3A_644] {strides = array<i32>} : memref<31264xf32, #tpu.memory_space<vmem>>, vector<16xf32>,
      %get3A_646 = vector.shape_cast %get3A_645 : vector<16xf32> to vector<16xf32>
      %sub3A_647 = arith.subf %get3A_646, %max3A_147 : vector<16xf32>
      %exp3A_648 = math.exp %sub3A_647 : vector<16xf32>
      %add3A_649 = arith.addf %scan3A_554, %exp3A_648 : vector<16xf32>
      %add3A_650 = arith.constant 176 : i32
      %add3A_651 = arith.addi %mul3A_561, %add3A_650 : i32
      %get3A_652 = arith.index_cast %add3A_651 : i32 to index
      %get3A_653 = tpu.vector_load %arg8[%get3A_652] {strides = array<i32>} : memref<31264xf32, #tpu.memory_space<vmem>>, vector<16xf32>,
      %get3A_654 = vector.shape_cast %get3A_653 : vector<16xf32> to vector<16xf32>
      %sub3A_655 = arith.subf %get3A_654, %max3A_147 : vector<16xf32>
      %exp3A_656 = math.exp %sub3A_655 : vector<16xf32>
      %add3A_657 = arith.addf %scan3A_555, %exp3A_656 : vector<16xf32>
      %add3A_658 = arith.constant 192 : i32
      %add3A_659 = arith.addi %mul3A_561, %add3A_658 : i32
      %get3A_660 = arith.index_cast %add3A_659 : i32 to index
      %get3A_661 = tpu.vector_load %arg8[%get3A_660] {strides = array<i32>} : memref<31264xf32, #tpu.memory_space<vmem>>, vector<16xf32>,
      %get3A_662 = vector.shape_cast %get3A_661 : vector<16xf32> to vector<16xf32>
      %sub3A_663 = arith.subf %get3A_662, %max3A_147 : vector<16xf32>
      %exp3A_664 = math.exp %sub3A_663 : vector<16xf32>
      %add3A_665 = arith.addf %scan3A_556, %exp3A_664 : vector<16xf32>
      %add3A_666 = arith.constant 208 : i32
      %add3A_667 = arith.addi %mul3A_561, %add3A_666 : i32
      %get3A_668 = arith.index_cast %add3A_667 : i32 to index
      %get3A_669 = tpu.vector_load %arg8[%get3A_668] {strides = array<i32>} : memref<31264xf32, #tpu.memory_space<vmem>>, vector<16xf32>,
      %get3A_670 = vector.shape_cast %get3A_669 : vector<16xf32> to vector<16xf32>
      %sub3A_671 = arith.subf %get3A_670, %max3A_147 : vector<16xf32>
      %exp3A_672 = math.exp %sub3A_671 : vector<16xf32>
      %add3A_673 = arith.addf %scan3A_557, %exp3A_672 : vector<16xf32>
      %add3A_674 = arith.constant 224 : i32
      %add3A_675 = arith.addi %mul3A_561, %add3A_674 : i32
      %get3A_676 = arith.index_cast %add3A_675 : i32 to index
      %get3A_677 = tpu.vector_load %arg8[%get3A_676] {strides = array<i32>} : memref<31264xf32, #tpu.memory_space<vmem>>, vector<16xf32>,
      %get3A_678 = vector.shape_cast %get3A_677 : vector<16xf32> to vector<16xf32>
      %sub3A_679 = arith.subf %get3A_678, %max3A_147 : vector<16xf32>
      %exp3A_680 = math.exp %sub3A_679 : vector<16xf32>
      %add3A_681 = arith.addf %scan3A_558, %exp3A_680 : vector<16xf32>
      %add3A_682 = arith.constant 240 : i32
      %add3A_683 = arith.addi %mul3A_561, %add3A_682 : i32
      %get3A_684 = arith.index_cast %add3A_683 : i32 to index
      %get3A_685 = tpu.vector_load %arg8[%get3A_684] {strides = array<i32>} : memref<31264xf32, #tpu.memory_space<vmem>>, vector<16xf32>,
      %get3A_686 = vector.shape_cast %get3A_685 : vector<16xf32> to vector<16xf32>
      %sub3A_687 = arith.subf %get3A_686, %max3A_147 : vector<16xf32>
      %exp3A_688 = math.exp %sub3A_687 : vector<16xf32>
      %add3A_689 = arith.addf %scan3A_559, %exp3A_688 : vector<16xf32>
      scf.yield %add3A_569, %add3A_577, %add3A_585, %add3A_593, %add3A_601, %add3A_609, %add3A_617, %add3A_625, %add3A_633, %add3A_641, %add3A_649, %add3A_657, %add3A_665, %add3A_673, %add3A_681, %add3A_689 : vector<16xf32>, vector<16xf32>, vector<16xf32>, vector<16xf32>, vector<16xf32>, vector<16xf32>, vector<16xf32>, vector<16xf32>, vector<16xf32>, vector<16xf32>, vector<16xf32>, vector<16xf32>, vector<16xf32>, vector<16xf32>, vector<16xf32>, vector<16xf32>
    }
    %scan3A_155 = arith.constant 122 : i32
    %get3A_156 = arith.constant 31232 : index
    %get3A_157 = tpu.vector_load %arg8[%get3A_156] {strides = array<i32>} : memref<31264xf32, #tpu.memory_space<vmem>>, vector<16xf32>,
    %get3A_158 = vector.shape_cast %get3A_157 : vector<16xf32> to vector<16xf32>
    %sub3A = arith.subf %get3A_158, %max3A_147 : vector<16xf32>
    %exp3A = math.exp %sub3A : vector<16xf32>
    %add3A_159 = arith.addf %scan3A_154#0, %exp3A : vector<16xf32>
    %get3A_160 = arith.constant 31248 : index
    %get3A_161 = tpu.vector_load %arg8[%get3A_160] {strides = array<i32>} : memref<31264xf32, #tpu.memory_space<vmem>>, vector<16xf32>,
    %get3A_162 = vector.shape_cast %get3A_161 : vector<16xf32> to vector<16xf32>
    %sub3A_163 = arith.subf %get3A_162, %max3A_147 : vector<16xf32>
    %exp3A_164 = math.exp %sub3A_163 : vector<16xf32>
    %add3A_165 = arith.addf %add3A_159, %exp3A_164 : vector<16xf32>
    %add3A_166 = arith.addf %add3A_165, %scan3A_154#1 : vector<16xf32>
    %add3A_167 = arith.addf %add3A_166, %scan3A_154#2 : vector<16xf32>
    %add3A_168 = arith.addf %add3A_167, %scan3A_154#3 : vector<16xf32>
    %add3A_169 = arith.addf %add3A_168, %scan3A_154#4 : vector<16xf32>
    %add3A_170 = arith.addf %add3A_169, %scan3A_154#5 : vector<16xf32>
    %add3A_171 = arith.addf %add3A_170, %scan3A_154#6 : vector<16xf32>
    %add3A_172 = arith.addf %add3A_171, %scan3A_154#7 : vector<16xf32>
    %add3A_173 = arith.addf %add3A_172, %scan3A_154#8 : vector<16xf32>
    %add3A_174 = arith.addf %add3A_173, %scan3A_154#9 : vector<16xf32>
    %add3A_175 = arith.addf %add3A_174, %scan3A_154#10 : vector<16xf32>
    %add3A_176 = arith.addf %add3A_175, %scan3A_154#11 : vector<16xf32>
    %add3A_177 = arith.addf %add3A_176, %scan3A_154#12 : vector<16xf32>
    %add3A_178 = arith.addf %add3A_177, %scan3A_154#13 : vector<16xf32>
    %add3A_179 = arith.addf %add3A_178, %scan3A_154#14 : vector<16xf32>
    %add3A_180 = arith.addf %add3A_179, %scan3A_154#15 : vector<16xf32>
    %iota3A_181 = tpu.iota {dimensions = array<i32: 0>} : vector<16xi32>
    %xor3A_182 = arith.constant 8 : i32
    %xor3A_183 = vector.broadcast %xor3A_182 : i32 to vector<16xi32>
    %xor3A_184 = arith.xori %iota3A_181, %xor3A_183 : vector<16xi32>
    %lt3A_185 = arith.constant 0 : i32
    %lt3A_186 = vector.broadcast %lt3A_185 : i32 to vector<16xi32>
    %lt3A_187 = arith.cmpi slt, %xor3A_184, %lt3A_186 : vector<16xi32>
    %add3A_188 = arith.constant 16 : i32
    %add3A_189 = vector.broadcast %add3A_188 : i32 to vector<16xi32>
    %add3A_190 = arith.addi %xor3A_184, %add3A_189 : vector<16xi32>
    %select_n3A_191 = arith.select %lt3A_187, %add3A_190, %xor3A_184 : vector<16xi1>, vector<16xi32>
    %broadcast_in_dim3A_192 = vector.shape_cast %select_n3A_191 : vector<16xi32> to vector<16x1xi32>
    %gather3A_193 = vector.shape_cast %broadcast_in_dim3A_192 : vector<16x1xi32> to vector<16xi32>
    %gather3A_194 = tpu.dynamic_gather %add3A_180[%gather3A_193] in [0] : vector<16xf32>, vector<16xi32> -> vector<16xf32>
    %add3A_195 = arith.addf %add3A_180, %gather3A_194 : vector<16xf32>
    %iota3A_196 = tpu.iota {dimensions = array<i32: 0>} : vector<16xi32>
    %xor3A_197 = arith.constant 4 : i32
    %xor3A_198 = vector.broadcast %xor3A_197 : i32 to vector<16xi32>
    %xor3A_199 = arith.xori %iota3A_196, %xor3A_198 : vector<16xi32>
    %lt3A_200 = arith.constant 0 : i32
    %lt3A_201 = vector.broadcast %lt3A_200 : i32 to vector<16xi32>
    %lt3A_202 = arith.cmpi slt, %xor3A_199, %lt3A_201 : vector<16xi32>
    %add3A_203 = arith.constant 16 : i32
    %add3A_204 = vector.broadcast %add3A_203 : i32 to vector<16xi32>
    %add3A_205 = arith.addi %xor3A_199, %add3A_204 : vector<16xi32>
    %select_n3A_206 = arith.select %lt3A_202, %add3A_205, %xor3A_199 : vector<16xi1>, vector<16xi32>
    %broadcast_in_dim3A_207 = vector.shape_cast %select_n3A_206 : vector<16xi32> to vector<16x1xi32>
    %gather3A_208 = vector.shape_cast %broadcast_in_dim3A_207 : vector<16x1xi32> to vector<16xi32>
    %gather3A_209 = tpu.dynamic_gather %add3A_195[%gather3A_208] in [0] : vector<16xf32>, vector<16xi32> -> vector<16xf32>
    %add3A_210 = arith.addf %add3A_195, %gather3A_209 : vector<16xf32>
    %iota3A_211 = tpu.iota {dimensions = array<i32: 0>} : vector<16xi32>
    %xor3A_212 = arith.constant 2 : i32
    %xor3A_213 = vector.broadcast %xor3A_212 : i32 to vector<16xi32>
    %xor3A_214 = arith.xori %iota3A_211, %xor3A_213 : vector<16xi32>
    %lt3A_215 = arith.constant 0 : i32
    %lt3A_216 = vector.broadcast %lt3A_215 : i32 to vector<16xi32>
    %lt3A_217 = arith.cmpi slt, %xor3A_214, %lt3A_216 : vector<16xi32>
    %add3A_218 = arith.constant 16 : i32
    %add3A_219 = vector.broadcast %add3A_218 : i32 to vector<16xi32>
    %add3A_220 = arith.addi %xor3A_214, %add3A_219 : vector<16xi32>
    %select_n3A_221 = arith.select %lt3A_217, %add3A_220, %xor3A_214 : vector<16xi1>, vector<16xi32>
    %broadcast_in_dim3A_222 = vector.shape_cast %select_n3A_221 : vector<16xi32> to vector<16x1xi32>
    %gather3A_223 = vector.shape_cast %broadcast_in_dim3A_222 : vector<16x1xi32> to vector<16xi32>
    %gather3A_224 = tpu.dynamic_gather %add3A_210[%gather3A_223] in [0] : vector<16xf32>, vector<16xi32> -> vector<16xf32>
    %add3A_225 = arith.addf %add3A_210, %gather3A_224 : vector<16xf32>
    %iota3A_226 = tpu.iota {dimensions = array<i32: 0>} : vector<16xi32>
    %xor3A_227 = arith.constant 1 : i32
    %xor3A_228 = vector.broadcast %xor3A_227 : i32 to vector<16xi32>
    %xor3A_229 = arith.xori %iota3A_226, %xor3A_228 : vector<16xi32>
    %lt3A_230 = arith.constant 0 : i32
    %lt3A_231 = vector.broadcast %lt3A_230 : i32 to vector<16xi32>
    %lt3A_232 = arith.cmpi slt, %xor3A_229, %lt3A_231 : vector<16xi32>
    %add3A_233 = arith.constant 16 : i32
    %add3A_234 = vector.broadcast %add3A_233 : i32 to vector<16xi32>
    %add3A_235 = arith.addi %xor3A_229, %add3A_234 : vector<16xi32>
    %select_n3A_236 = arith.select %lt3A_232, %add3A_235, %xor3A_229 : vector<16xi1>, vector<16xi32>
    %broadcast_in_dim3A_237 = vector.shape_cast %select_n3A_236 : vector<16xi32> to vector<16x1xi32>
    %gather3A_238 = vector.shape_cast %broadcast_in_dim3A_237 : vector<16x1xi32> to vector<16xi32>
    %gather3A_239 = tpu.dynamic_gather %add3A_225[%gather3A_238] in [0] : vector<16xf32>, vector<16xi32> -> vector<16xf32>
    %add3A_240 = arith.addf %add3A_225, %gather3A_239 : vector<16xf32>
    %swap3A = arith.constant 0 : index
    %swap3A_241 = tpu.vector_load %arg9[%swap3A] {strides = array<i32>} : memref<16xf32, #tpu.memory_space<vmem>>, vector<16xf32>,
    %swap3A_242 = vector.shape_cast %swap3A_241 : vector<16xf32> to vector<16xf32>
    %swap3A_243 = vector.shape_cast %max3A_147 : vector<16xf32> to vector<16xf32>
    tpu.vector_store %arg9[%swap3A], %swap3A_243 {strides = array<i32>} : memref<16xf32, #tpu.memory_space<vmem>>, vector<16xf32>,
    %swap3A_244 = arith.constant 0 : index
    %swap3A_245 = tpu.vector_load %arg10[%swap3A_244] {strides = array<i32>} : memref<16xf32, #tpu.memory_space<vmem>>, vector<16xf32>,
    %swap3A_246 = vector.shape_cast %swap3A_245 : vector<16xf32> to vector<16xf32>
    %swap3A_247 = vector.shape_cast %add3A_240 : vector<16xf32> to vector<16xf32>
    tpu.vector_store %arg10[%swap3A_244], %swap3A_247 {strides = array<i32>} : memref<16xf32, #tpu.memory_space<vmem>>, vector<16xf32>,
    %mul3A_248 = arith.constant 16 : i32
    %mul3A_249 = arith.muli %arg1, %mul3A_248 : i32
    "tpu.region"() ({
      %run_scoped3A = tpu.sem_alloc : memref<!tpu.dma_semaphore, #tpu.memory_space<semaphore_mem>>
      %dma_start3A_543 = tpu.memref_slice %arg17[%mul3A_249] : memref<256xf32, #tpu.memory_space<vmem_shared>> -> memref<16xf32, #tpu.memory_space<vmem_shared>>
      %dma_start3A_544 = tpu.memref_slice %arg17[%mul3A_249] : memref<256xf32, #tpu.memory_space<vmem_shared>> -> memref<16xf32, #tpu.memory_space<vmem_shared>>
      tpu.enqueue_dma source(%arg9 : memref<16xf32, #tpu.memory_space<vmem>>) target(%dma_start3A_544 : memref<16xf32, #tpu.memory_space<vmem_shared>>) target_semaphore(%run_scoped3A : memref<!tpu.dma_semaphore, #tpu.memory_space<semaphore_mem>>)
      %dma_wait3A_545 = tpu.memref_slice %arg17[%mul3A_249] : memref<256xf32, #tpu.memory_space<vmem_shared>> -> memref<16xf32, #tpu.memory_space<vmem_shared>>
      %dma_wait3A_546 = tpu.memref_slice %arg17[%mul3A_249] : memref<256xf32, #tpu.memory_space<vmem_shared>> -> memref<16xf32, #tpu.memory_space<vmem_shared>>
      tpu.wait_dma2 semaphore(%run_scoped3A : memref<!tpu.dma_semaphore, #tpu.memory_space<semaphore_mem>>) src(%arg9 : memref<16xf32, #tpu.memory_space<vmem>>) dst(%dma_wait3A_546 : memref<16xf32, #tpu.memory_space<vmem_shared>>)
      tpu.yield
    }) : () -> ()
    %mul3A_250 = arith.constant 16 : i32
    %mul3A_251 = arith.muli %arg1, %mul3A_250 : i32
    "tpu.region"() ({
      %run_scoped3A = tpu.sem_alloc : memref<!tpu.dma_semaphore, #tpu.memory_space<semaphore_mem>>
      %dma_start3A_543 = tpu.memref_slice %arg18[%mul3A_251] : memref<256xf32, #tpu.memory_space<vmem_shared>> -> memref<16xf32, #tpu.memory_space<vmem_shared>>
      %dma_start3A_544 = tpu.memref_slice %arg18[%mul3A_251] : memref<256xf32, #tpu.memory_space<vmem_shared>> -> memref<16xf32, #tpu.memory_space<vmem_shared>>
      tpu.enqueue_dma source(%arg10 : memref<16xf32, #tpu.memory_space<vmem>>) target(%dma_start3A_544 : memref<16xf32, #tpu.memory_space<vmem_shared>>) target_semaphore(%run_scoped3A : memref<!tpu.dma_semaphore, #tpu.memory_space<semaphore_mem>>)
      %dma_wait3A_545 = tpu.memref_slice %arg18[%mul3A_251] : memref<256xf32, #tpu.memory_space<vmem_shared>> -> memref<16xf32, #tpu.memory_space<vmem_shared>>
      %dma_wait3A_546 = tpu.memref_slice %arg18[%mul3A_251] : memref<256xf32, #tpu.memory_space<vmem_shared>> -> memref<16xf32, #tpu.memory_space<vmem_shared>>
      tpu.wait_dma2 semaphore(%run_scoped3A : memref<!tpu.dma_semaphore, #tpu.memory_space<semaphore_mem>>) src(%arg10 : memref<16xf32, #tpu.memory_space<vmem>>) dst(%dma_wait3A_546 : memref<16xf32, #tpu.memory_space<vmem_shared>>)
      tpu.yield
    }) : () -> ()
    %barrier3A = arith.constant 0 : index
    tpu.barrier barrier_id(%barrier3A)
    %eq3A_252 = arith.constant 0 : i32
    %eq3A_253 = arith.cmpi eq, %arg1, %eq3A_252 : i32
    %convert_element_type3A_254 = arith.extui %eq3A_253 : i1 to i32
    %cond3A_255 = arith.constant 0 : i32
    %cond3A_256 = arith.cmpi ne, %convert_element_type3A_254, %cond3A_255 : i32
    scf.if %cond3A_256 {
      "tpu.region"() ({
        %run_scoped3A = tpu.sem_alloc : memref<!tpu.dma_semaphore, #tpu.memory_space<semaphore_mem>>
        tpu.enqueue_dma source(%arg17 : memref<256xf32, #tpu.memory_space<vmem_shared>>) target(%arg11 : memref<256xf32, #tpu.memory_space<vmem>>) target_semaphore(%run_scoped3A : memref<!tpu.dma_semaphore, #tpu.memory_space<semaphore_mem>>)
        tpu.wait_dma2 semaphore(%run_scoped3A : memref<!tpu.dma_semaphore, #tpu.memory_space<semaphore_mem>>) src(%arg17 : memref<256xf32, #tpu.memory_space<vmem_shared>>) dst(%arg11 : memref<256xf32, #tpu.memory_space<vmem>>)
        tpu.yield
      }) : () -> ()
      "tpu.region"() ({
        %run_scoped3A = tpu.sem_alloc : memref<!tpu.dma_semaphore, #tpu.memory_space<semaphore_mem>>
        tpu.enqueue_dma source(%arg18 : memref<256xf32, #tpu.memory_space<vmem_shared>>) target(%arg12 : memref<256xf32, #tpu.memory_space<vmem>>) target_semaphore(%run_scoped3A : memref<!tpu.dma_semaphore, #tpu.memory_space<semaphore_mem>>)
        tpu.wait_dma2 semaphore(%run_scoped3A : memref<!tpu.dma_semaphore, #tpu.memory_space<semaphore_mem>>) src(%arg18 : memref<256xf32, #tpu.memory_space<vmem_shared>>) dst(%arg12 : memref<256xf32, #tpu.memory_space<vmem>>)
        tpu.yield
      }) : () -> ()
      %get3A_543 = arith.constant 0 : index
      %get3A_544 = tpu.vector_load %arg11[%get3A_543] {strides = array<i32>} : memref<256xf32, #tpu.memory_space<vmem>>, vector<16xf32>,
      %get3A_545 = vector.shape_cast %get3A_544 : vector<16xf32> to vector<16xf32>
      %get3A_546 = arith.constant 16 : index
      %get3A_547 = tpu.vector_load %arg11[%get3A_546] {strides = array<i32>} : memref<256xf32, #tpu.memory_space<vmem>>, vector<16xf32>,
      %get3A_548 = vector.shape_cast %get3A_547 : vector<16xf32> to vector<16xf32>
      %max3A_549 = arith.maximumf %get3A_545, %get3A_548 : vector<16xf32>
      %get3A_550 = arith.constant 32 : index
      %get3A_551 = tpu.vector_load %arg11[%get3A_550] {strides = array<i32>} : memref<256xf32, #tpu.memory_space<vmem>>, vector<16xf32>,
      %get3A_552 = vector.shape_cast %get3A_551 : vector<16xf32> to vector<16xf32>
      %max3A_553 = arith.maximumf %max3A_549, %get3A_552 : vector<16xf32>
      %get3A_554 = arith.constant 48 : index
      %get3A_555 = tpu.vector_load %arg11[%get3A_554] {strides = array<i32>} : memref<256xf32, #tpu.memory_space<vmem>>, vector<16xf32>,
      %get3A_556 = vector.shape_cast %get3A_555 : vector<16xf32> to vector<16xf32>
      %max3A_557 = arith.maximumf %max3A_553, %get3A_556 : vector<16xf32>
      %get3A_558 = arith.constant 64 : index
      %get3A_559 = tpu.vector_load %arg11[%get3A_558] {strides = array<i32>} : memref<256xf32, #tpu.memory_space<vmem>>, vector<16xf32>,
      %get3A_560 = vector.shape_cast %get3A_559 : vector<16xf32> to vector<16xf32>
      %max3A_561 = arith.maximumf %max3A_557, %get3A_560 : vector<16xf32>
      %get3A_562 = arith.constant 80 : index
      %get3A_563 = tpu.vector_load %arg11[%get3A_562] {strides = array<i32>} : memref<256xf32, #tpu.memory_space<vmem>>, vector<16xf32>,
      %get3A_564 = vector.shape_cast %get3A_563 : vector<16xf32> to vector<16xf32>
      %max3A_565 = arith.maximumf %max3A_561, %get3A_564 : vector<16xf32>
      %get3A_566 = arith.constant 96 : index
      %get3A_567 = tpu.vector_load %arg11[%get3A_566] {strides = array<i32>} : memref<256xf32, #tpu.memory_space<vmem>>, vector<16xf32>,
      %get3A_568 = vector.shape_cast %get3A_567 : vector<16xf32> to vector<16xf32>
      %max3A_569 = arith.maximumf %max3A_565, %get3A_568 : vector<16xf32>
      %get3A_570 = arith.constant 112 : index
      %get3A_571 = tpu.vector_load %arg11[%get3A_570] {strides = array<i32>} : memref<256xf32, #tpu.memory_space<vmem>>, vector<16xf32>,
      %get3A_572 = vector.shape_cast %get3A_571 : vector<16xf32> to vector<16xf32>
      %max3A_573 = arith.maximumf %max3A_569, %get3A_572 : vector<16xf32>
      %get3A_574 = arith.constant 128 : index
      %get3A_575 = tpu.vector_load %arg11[%get3A_574] {strides = array<i32>} : memref<256xf32, #tpu.memory_space<vmem>>, vector<16xf32>,
      %get3A_576 = vector.shape_cast %get3A_575 : vector<16xf32> to vector<16xf32>
      %max3A_577 = arith.maximumf %max3A_573, %get3A_576 : vector<16xf32>
      %get3A_578 = arith.constant 144 : index
      %get3A_579 = tpu.vector_load %arg11[%get3A_578] {strides = array<i32>} : memref<256xf32, #tpu.memory_space<vmem>>, vector<16xf32>,
      %get3A_580 = vector.shape_cast %get3A_579 : vector<16xf32> to vector<16xf32>
      %max3A_581 = arith.maximumf %max3A_577, %get3A_580 : vector<16xf32>
      %get3A_582 = arith.constant 160 : index
      %get3A_583 = tpu.vector_load %arg11[%get3A_582] {strides = array<i32>} : memref<256xf32, #tpu.memory_space<vmem>>, vector<16xf32>,
      %get3A_584 = vector.shape_cast %get3A_583 : vector<16xf32> to vector<16xf32>
      %max3A_585 = arith.maximumf %max3A_581, %get3A_584 : vector<16xf32>
      %get3A_586 = arith.constant 176 : index
      %get3A_587 = tpu.vector_load %arg11[%get3A_586] {strides = array<i32>} : memref<256xf32, #tpu.memory_space<vmem>>, vector<16xf32>,
      %get3A_588 = vector.shape_cast %get3A_587 : vector<16xf32> to vector<16xf32>
      %max3A_589 = arith.maximumf %max3A_585, %get3A_588 : vector<16xf32>
      %get3A_590 = arith.constant 192 : index
      %get3A_591 = tpu.vector_load %arg11[%get3A_590] {strides = array<i32>} : memref<256xf32, #tpu.memory_space<vmem>>, vector<16xf32>,
      %get3A_592 = vector.shape_cast %get3A_591 : vector<16xf32> to vector<16xf32>
      %max3A_593 = arith.maximumf %max3A_589, %get3A_592 : vector<16xf32>
      %get3A_594 = arith.constant 208 : index
      %get3A_595 = tpu.vector_load %arg11[%get3A_594] {strides = array<i32>} : memref<256xf32, #tpu.memory_space<vmem>>, vector<16xf32>,
      %get3A_596 = vector.shape_cast %get3A_595 : vector<16xf32> to vector<16xf32>
      %max3A_597 = arith.maximumf %max3A_593, %get3A_596 : vector<16xf32>
      %get3A_598 = arith.constant 224 : index
      %get3A_599 = tpu.vector_load %arg11[%get3A_598] {strides = array<i32>} : memref<256xf32, #tpu.memory_space<vmem>>, vector<16xf32>,
      %get3A_600 = vector.shape_cast %get3A_599 : vector<16xf32> to vector<16xf32>
      %max3A_601 = arith.maximumf %max3A_597, %get3A_600 : vector<16xf32>
      %get3A_602 = arith.constant 240 : index
      %get3A_603 = tpu.vector_load %arg11[%get3A_602] {strides = array<i32>} : memref<256xf32, #tpu.memory_space<vmem>>, vector<16xf32>,
      %get3A_604 = vector.shape_cast %get3A_603 : vector<16xf32> to vector<16xf32>
      %max3A_605 = arith.maximumf %max3A_601, %get3A_604 : vector<16xf32>
      %broadcast_in_dim3A_606 = arith.constant 0.000000e+00 : f32
      %broadcast_in_dim3A_607 = vector.broadcast %broadcast_in_dim3A_606 : f32 to vector<16xf32>
      %get3A_608 = arith.constant 0 : index
      %get3A_609 = tpu.vector_load %arg12[%get3A_608] {strides = array<i32>} : memref<256xf32, #tpu.memory_space<vmem>>, vector<16xf32>,
      %get3A_610 = vector.shape_cast %get3A_609 : vector<16xf32> to vector<16xf32>
      %get3A_611 = arith.constant 0 : index
      %get3A_612 = tpu.vector_load %arg11[%get3A_611] {strides = array<i32>} : memref<256xf32, #tpu.memory_space<vmem>>, vector<16xf32>,
      %get3A_613 = vector.shape_cast %get3A_612 : vector<16xf32> to vector<16xf32>
      %sub3A_614 = arith.subf %get3A_613, %max3A_605 : vector<16xf32>
      %exp3A_615 = math.exp %sub3A_614 : vector<16xf32>
      %mul3A_616 = arith.mulf %get3A_610, %exp3A_615 : vector<16xf32>
      %add3A_617 = arith.addf %broadcast_in_dim3A_607, %mul3A_616 : vector<16xf32>
      %get3A_618 = arith.constant 16 : index
      %get3A_619 = tpu.vector_load %arg12[%get3A_618] {strides = array<i32>} : memref<256xf32, #tpu.memory_space<vmem>>, vector<16xf32>,
      %get3A_620 = vector.shape_cast %get3A_619 : vector<16xf32> to vector<16xf32>
      %get3A_621 = arith.constant 16 : index
      %get3A_622 = tpu.vector_load %arg11[%get3A_621] {strides = array<i32>} : memref<256xf32, #tpu.memory_space<vmem>>, vector<16xf32>,
      %get3A_623 = vector.shape_cast %get3A_622 : vector<16xf32> to vector<16xf32>
      %sub3A_624 = arith.subf %get3A_623, %max3A_605 : vector<16xf32>
      %exp3A_625 = math.exp %sub3A_624 : vector<16xf32>
      %mul3A_626 = arith.mulf %get3A_620, %exp3A_625 : vector<16xf32>
      %add3A_627 = arith.addf %add3A_617, %mul3A_626 : vector<16xf32>
      %get3A_628 = arith.constant 32 : index
      %get3A_629 = tpu.vector_load %arg12[%get3A_628] {strides = array<i32>} : memref<256xf32, #tpu.memory_space<vmem>>, vector<16xf32>,
      %get3A_630 = vector.shape_cast %get3A_629 : vector<16xf32> to vector<16xf32>
      %get3A_631 = arith.constant 32 : index
      %get3A_632 = tpu.vector_load %arg11[%get3A_631] {strides = array<i32>} : memref<256xf32, #tpu.memory_space<vmem>>, vector<16xf32>,
      %get3A_633 = vector.shape_cast %get3A_632 : vector<16xf32> to vector<16xf32>
      %sub3A_634 = arith.subf %get3A_633, %max3A_605 : vector<16xf32>
      %exp3A_635 = math.exp %sub3A_634 : vector<16xf32>
      %mul3A_636 = arith.mulf %get3A_630, %exp3A_635 : vector<16xf32>
      %add3A_637 = arith.addf %add3A_627, %mul3A_636 : vector<16xf32>
      %get3A_638 = arith.constant 48 : index
      %get3A_639 = tpu.vector_load %arg12[%get3A_638] {strides = array<i32>} : memref<256xf32, #tpu.memory_space<vmem>>, vector<16xf32>,
      %get3A_640 = vector.shape_cast %get3A_639 : vector<16xf32> to vector<16xf32>
      %get3A_641 = arith.constant 48 : index
      %get3A_642 = tpu.vector_load %arg11[%get3A_641] {strides = array<i32>} : memref<256xf32, #tpu.memory_space<vmem>>, vector<16xf32>,
      %get3A_643 = vector.shape_cast %get3A_642 : vector<16xf32> to vector<16xf32>
      %sub3A_644 = arith.subf %get3A_643, %max3A_605 : vector<16xf32>
      %exp3A_645 = math.exp %sub3A_644 : vector<16xf32>
      %mul3A_646 = arith.mulf %get3A_640, %exp3A_645 : vector<16xf32>
      %add3A_647 = arith.addf %add3A_637, %mul3A_646 : vector<16xf32>
      %get3A_648 = arith.constant 64 : index
      %get3A_649 = tpu.vector_load %arg12[%get3A_648] {strides = array<i32>} : memref<256xf32, #tpu.memory_space<vmem>>, vector<16xf32>,
      %get3A_650 = vector.shape_cast %get3A_649 : vector<16xf32> to vector<16xf32>
      %get3A_651 = arith.constant 64 : index
      %get3A_652 = tpu.vector_load %arg11[%get3A_651] {strides = array<i32>} : memref<256xf32, #tpu.memory_space<vmem>>, vector<16xf32>,
      %get3A_653 = vector.shape_cast %get3A_652 : vector<16xf32> to vector<16xf32>
      %sub3A_654 = arith.subf %get3A_653, %max3A_605 : vector<16xf32>
      %exp3A_655 = math.exp %sub3A_654 : vector<16xf32>
      %mul3A_656 = arith.mulf %get3A_650, %exp3A_655 : vector<16xf32>
      %add3A_657 = arith.addf %add3A_647, %mul3A_656 : vector<16xf32>
      %get3A_658 = arith.constant 80 : index
      %get3A_659 = tpu.vector_load %arg12[%get3A_658] {strides = array<i32>} : memref<256xf32, #tpu.memory_space<vmem>>, vector<16xf32>,
      %get3A_660 = vector.shape_cast %get3A_659 : vector<16xf32> to vector<16xf32>
      %get3A_661 = arith.constant 80 : index
      %get3A_662 = tpu.vector_load %arg11[%get3A_661] {strides = array<i32>} : memref<256xf32, #tpu.memory_space<vmem>>, vector<16xf32>,
      %get3A_663 = vector.shape_cast %get3A_662 : vector<16xf32> to vector<16xf32>
      %sub3A_664 = arith.subf %get3A_663, %max3A_605 : vector<16xf32>
      %exp3A_665 = math.exp %sub3A_664 : vector<16xf32>
      %mul3A_666 = arith.mulf %get3A_660, %exp3A_665 : vector<16xf32>
      %add3A_667 = arith.addf %add3A_657, %mul3A_666 : vector<16xf32>
      %get3A_668 = arith.constant 96 : index
      %get3A_669 = tpu.vector_load %arg12[%get3A_668] {strides = array<i32>} : memref<256xf32, #tpu.memory_space<vmem>>, vector<16xf32>,
      %get3A_670 = vector.shape_cast %get3A_669 : vector<16xf32> to vector<16xf32>
      %get3A_671 = arith.constant 96 : index
      %get3A_672 = tpu.vector_load %arg11[%get3A_671] {strides = array<i32>} : memref<256xf32, #tpu.memory_space<vmem>>, vector<16xf32>,
      %get3A_673 = vector.shape_cast %get3A_672 : vector<16xf32> to vector<16xf32>
      %sub3A_674 = arith.subf %get3A_673, %max3A_605 : vector<16xf32>
      %exp3A_675 = math.exp %sub3A_674 : vector<16xf32>
      %mul3A_676 = arith.mulf %get3A_670, %exp3A_675 : vector<16xf32>
      %add3A_677 = arith.addf %add3A_667, %mul3A_676 : vector<16xf32>
      %get3A_678 = arith.constant 112 : index
      %get3A_679 = tpu.vector_load %arg12[%get3A_678] {strides = array<i32>} : memref<256xf32, #tpu.memory_space<vmem>>, vector<16xf32>,
      %get3A_680 = vector.shape_cast %get3A_679 : vector<16xf32> to vector<16xf32>
      %get3A_681 = arith.constant 112 : index
      %get3A_682 = tpu.vector_load %arg11[%get3A_681] {strides = array<i32>} : memref<256xf32, #tpu.memory_space<vmem>>, vector<16xf32>,
      %get3A_683 = vector.shape_cast %get3A_682 : vector<16xf32> to vector<16xf32>
      %sub3A_684 = arith.subf %get3A_683, %max3A_605 : vector<16xf32>
      %exp3A_685 = math.exp %sub3A_684 : vector<16xf32>
      %mul3A_686 = arith.mulf %get3A_680, %exp3A_685 : vector<16xf32>
      %add3A_687 = arith.addf %add3A_677, %mul3A_686 : vector<16xf32>
      %get3A_688 = arith.constant 128 : index
      %get3A_689 = tpu.vector_load %arg12[%get3A_688] {strides = array<i32>} : memref<256xf32, #tpu.memory_space<vmem>>, vector<16xf32>,
      %get3A_690 = vector.shape_cast %get3A_689 : vector<16xf32> to vector<16xf32>
      %get3A_691 = arith.constant 128 : index
      %get3A_692 = tpu.vector_load %arg11[%get3A_691] {strides = array<i32>} : memref<256xf32, #tpu.memory_space<vmem>>, vector<16xf32>,
      %get3A_693 = vector.shape_cast %get3A_692 : vector<16xf32> to vector<16xf32>
      %sub3A_694 = arith.subf %get3A_693, %max3A_605 : vector<16xf32>
      %exp3A_695 = math.exp %sub3A_694 : vector<16xf32>
      %mul3A_696 = arith.mulf %get3A_690, %exp3A_695 : vector<16xf32>
      %add3A_697 = arith.addf %add3A_687, %mul3A_696 : vector<16xf32>
      %get3A_698 = arith.constant 144 : index
      %get3A_699 = tpu.vector_load %arg12[%get3A_698] {strides = array<i32>} : memref<256xf32, #tpu.memory_space<vmem>>, vector<16xf32>,
      %get3A_700 = vector.shape_cast %get3A_699 : vector<16xf32> to vector<16xf32>
      %get3A_701 = arith.constant 144 : index
      %get3A_702 = tpu.vector_load %arg11[%get3A_701] {strides = array<i32>} : memref<256xf32, #tpu.memory_space<vmem>>, vector<16xf32>,
      %get3A_703 = vector.shape_cast %get3A_702 : vector<16xf32> to vector<16xf32>
      %sub3A_704 = arith.subf %get3A_703, %max3A_605 : vector<16xf32>
      %exp3A_705 = math.exp %sub3A_704 : vector<16xf32>
      %mul3A_706 = arith.mulf %get3A_700, %exp3A_705 : vector<16xf32>
      %add3A_707 = arith.addf %add3A_697, %mul3A_706 : vector<16xf32>
      %get3A_708 = arith.constant 160 : index
      %get3A_709 = tpu.vector_load %arg12[%get3A_708] {strides = array<i32>} : memref<256xf32, #tpu.memory_space<vmem>>, vector<16xf32>,
      %get3A_710 = vector.shape_cast %get3A_709 : vector<16xf32> to vector<16xf32>
      %get3A_711 = arith.constant 160 : index
      %get3A_712 = tpu.vector_load %arg11[%get3A_711] {strides = array<i32>} : memref<256xf32, #tpu.memory_space<vmem>>, vector<16xf32>,
      %get3A_713 = vector.shape_cast %get3A_712 : vector<16xf32> to vector<16xf32>
      %sub3A_714 = arith.subf %get3A_713, %max3A_605 : vector<16xf32>
      %exp3A_715 = math.exp %sub3A_714 : vector<16xf32>
      %mul3A_716 = arith.mulf %get3A_710, %exp3A_715 : vector<16xf32>
      %add3A_717 = arith.addf %add3A_707, %mul3A_716 : vector<16xf32>
      %get3A_718 = arith.constant 176 : index
      %get3A_719 = tpu.vector_load %arg12[%get3A_718] {strides = array<i32>} : memref<256xf32, #tpu.memory_space<vmem>>, vector<16xf32>,
      %get3A_720 = vector.shape_cast %get3A_719 : vector<16xf32> to vector<16xf32>
      %get3A_721 = arith.constant 176 : index
      %get3A_722 = tpu.vector_load %arg11[%get3A_721] {strides = array<i32>} : memref<256xf32, #tpu.memory_space<vmem>>, vector<16xf32>,
      %get3A_723 = vector.shape_cast %get3A_722 : vector<16xf32> to vector<16xf32>
      %sub3A_724 = arith.subf %get3A_723, %max3A_605 : vector<16xf32>
      %exp3A_725 = math.exp %sub3A_724 : vector<16xf32>
      %mul3A_726 = arith.mulf %get3A_720, %exp3A_725 : vector<16xf32>
      %add3A_727 = arith.addf %add3A_717, %mul3A_726 : vector<16xf32>
      %get3A_728 = arith.constant 192 : index
      %get3A_729 = tpu.vector_load %arg12[%get3A_728] {strides = array<i32>} : memref<256xf32, #tpu.memory_space<vmem>>, vector<16xf32>,
      %get3A_730 = vector.shape_cast %get3A_729 : vector<16xf32> to vector<16xf32>
      %get3A_731 = arith.constant 192 : index
      %get3A_732 = tpu.vector_load %arg11[%get3A_731] {strides = array<i32>} : memref<256xf32, #tpu.memory_space<vmem>>, vector<16xf32>,
      %get3A_733 = vector.shape_cast %get3A_732 : vector<16xf32> to vector<16xf32>
      %sub3A_734 = arith.subf %get3A_733, %max3A_605 : vector<16xf32>
      %exp3A_735 = math.exp %sub3A_734 : vector<16xf32>
      %mul3A_736 = arith.mulf %get3A_730, %exp3A_735 : vector<16xf32>
      %add3A_737 = arith.addf %add3A_727, %mul3A_736 : vector<16xf32>
      %get3A_738 = arith.constant 208 : index
      %get3A_739 = tpu.vector_load %arg12[%get3A_738] {strides = array<i32>} : memref<256xf32, #tpu.memory_space<vmem>>, vector<16xf32>,
      %get3A_740 = vector.shape_cast %get3A_739 : vector<16xf32> to vector<16xf32>
      %get3A_741 = arith.constant 208 : index
      %get3A_742 = tpu.vector_load %arg11[%get3A_741] {strides = array<i32>} : memref<256xf32, #tpu.memory_space<vmem>>, vector<16xf32>,
      %get3A_743 = vector.shape_cast %get3A_742 : vector<16xf32> to vector<16xf32>
      %sub3A_744 = arith.subf %get3A_743, %max3A_605 : vector<16xf32>
      %exp3A_745 = math.exp %sub3A_744 : vector<16xf32>
      %mul3A_746 = arith.mulf %get3A_740, %exp3A_745 : vector<16xf32>
      %add3A_747 = arith.addf %add3A_737, %mul3A_746 : vector<16xf32>
      %get3A_748 = arith.constant 224 : index
      %get3A_749 = tpu.vector_load %arg12[%get3A_748] {strides = array<i32>} : memref<256xf32, #tpu.memory_space<vmem>>, vector<16xf32>,
      %get3A_750 = vector.shape_cast %get3A_749 : vector<16xf32> to vector<16xf32>
      %get3A_751 = arith.constant 224 : index
      %get3A_752 = tpu.vector_load %arg11[%get3A_751] {strides = array<i32>} : memref<256xf32, #tpu.memory_space<vmem>>, vector<16xf32>,
      %get3A_753 = vector.shape_cast %get3A_752 : vector<16xf32> to vector<16xf32>
      %sub3A_754 = arith.subf %get3A_753, %max3A_605 : vector<16xf32>
      %exp3A_755 = math.exp %sub3A_754 : vector<16xf32>
      %mul3A_756 = arith.mulf %get3A_750, %exp3A_755 : vector<16xf32>
      %add3A_757 = arith.addf %add3A_747, %mul3A_756 : vector<16xf32>
      %get3A_758 = arith.constant 240 : index
      %get3A_759 = tpu.vector_load %arg12[%get3A_758] {strides = array<i32>} : memref<256xf32, #tpu.memory_space<vmem>>, vector<16xf32>,
      %get3A_760 = vector.shape_cast %get3A_759 : vector<16xf32> to vector<16xf32>
      %get3A_761 = arith.constant 240 : index
      %get3A_762 = tpu.vector_load %arg11[%get3A_761] {strides = array<i32>} : memref<256xf32, #tpu.memory_space<vmem>>, vector<16xf32>,
      %get3A_763 = vector.shape_cast %get3A_762 : vector<16xf32> to vector<16xf32>
      %sub3A_764 = arith.subf %get3A_763, %max3A_605 : vector<16xf32>
      %exp3A_765 = math.exp %sub3A_764 : vector<16xf32>
      %mul3A_766 = arith.mulf %get3A_760, %exp3A_765 : vector<16xf32>
      %add3A_767 = arith.addf %add3A_757, %mul3A_766 : vector<16xf32>
      %swap3A_768 = arith.constant 0 : index
      %swap3A_769 = tpu.vector_load %arg13[%swap3A_768] {strides = array<i32>} : memref<32xf32, #tpu.memory_space<vmem>>, vector<16xf32>,
      %swap3A_770 = vector.shape_cast %swap3A_769 : vector<16xf32> to vector<16xf32>
      %swap3A_771 = vector.shape_cast %max3A_605 : vector<16xf32> to vector<16xf32>
      tpu.vector_store %arg13[%swap3A_768], %swap3A_771 {strides = array<i32>} : memref<32xf32, #tpu.memory_space<vmem>>, vector<16xf32>,
      %swap3A_772 = arith.constant 16 : index
      %swap3A_773 = tpu.vector_load %arg13[%swap3A_772] {strides = array<i32>} : memref<32xf32, #tpu.memory_space<vmem>>, vector<16xf32>,
      %swap3A_774 = vector.shape_cast %swap3A_773 : vector<16xf32> to vector<16xf32>
      %swap3A_775 = vector.shape_cast %add3A_767 : vector<16xf32> to vector<16xf32>
      tpu.vector_store %arg13[%swap3A_772], %swap3A_775 {strides = array<i32>} : memref<32xf32, #tpu.memory_space<vmem>>, vector<16xf32>,
      "tpu.region"() ({
        %run_scoped3A = tpu.sem_alloc : memref<!tpu.dma_semaphore, #tpu.memory_space<semaphore_mem>>
        %dma_start3A_836 = arith.constant 0 : i32
        %dma_start3A_837 = tpu.memref_slice %arg5[%arg0, %dma_start3A_836] : memref<2x32xf32, #tpu.memory_space<hbm>> -> memref<1x32xf32, #tpu.memory_space<hbm>>
        %dma_start3A_838 = tpu.memref_squeeze %dma_start3A_837 : memref<1x32xf32, #tpu.memory_space<hbm>> -> memref<32xf32, #tpu.memory_space<hbm>>
        %dma_start3A_839 = arith.constant 0 : i32
        %dma_start3A_840 = tpu.memref_slice %arg5[%arg0, %dma_start3A_839] : memref<2x32xf32, #tpu.memory_space<hbm>> -> memref<1x32xf32, #tpu.memory_space<hbm>>
        %dma_start3A_841 = tpu.memref_squeeze %dma_start3A_840 : memref<1x32xf32, #tpu.memory_space<hbm>> -> memref<32xf32, #tpu.memory_space<hbm>>
        tpu.enqueue_dma source(%arg13 : memref<32xf32, #tpu.memory_space<vmem>>) target(%dma_start3A_841 : memref<32xf32, #tpu.memory_space<hbm>>) target_semaphore(%run_scoped3A : memref<!tpu.dma_semaphore, #tpu.memory_space<semaphore_mem>>)
        %dma_wait3A_842 = arith.constant 0 : i32
        %dma_wait3A_843 = tpu.memref_slice %arg5[%arg0, %dma_wait3A_842] : memref<2x32xf32, #tpu.memory_space<hbm>> -> memref<1x32xf32, #tpu.memory_space<hbm>>
        %dma_wait3A_844 = tpu.memref_squeeze %dma_wait3A_843 : memref<1x32xf32, #tpu.memory_space<hbm>> -> memref<32xf32, #tpu.memory_space<hbm>>
        %dma_wait3A_845 = arith.constant 0 : i32
        %dma_wait3A_846 = tpu.memref_slice %arg5[%arg0, %dma_wait3A_845] : memref<2x32xf32, #tpu.memory_space<hbm>> -> memref<1x32xf32, #tpu.memory_space<hbm>>
        %dma_wait3A_847 = tpu.memref_squeeze %dma_wait3A_846 : memref<1x32xf32, #tpu.memory_space<hbm>> -> memref<32xf32, #tpu.memory_space<hbm>>
        tpu.wait_dma2 semaphore(%run_scoped3A : memref<!tpu.dma_semaphore, #tpu.memory_space<semaphore_mem>>) src(%arg13 : memref<32xf32, #tpu.memory_space<vmem>>) dst(%dma_wait3A_847 : memref<32xf32, #tpu.memory_space<hbm>>)
        tpu.yield
      }) : () -> ()
      %sub3A_776 = arith.constant 1 : i32
      %sub3A_777 = arith.subi %sub3A_776, %arg0 : i32
      %semaphore_signal3A = arith.constant 1 : i32
      tpu.sem_signal %arg24, %semaphore_signal3A core_id %sub3A_777 : memref<!tpu.semaphore, #tpu.memory_space<semaphore_mem>>
      %semaphore_wait3A = arith.constant 1 : i32
      %semaphore_wait3A_778 = arith.constant true
      tpu.sem_wait %arg24, %semaphore_wait3A : memref<!tpu.semaphore, #tpu.memory_space<semaphore_mem>>
      %sub3A_779 = arith.constant 1 : i32
      %sub3A_780 = arith.subi %sub3A_779, %arg0 : i32
      "tpu.region"() ({
        %run_scoped3A = tpu.sem_alloc : memref<!tpu.dma_semaphore, #tpu.memory_space<semaphore_mem>>
        %dma_start3A_836 = arith.constant 0 : i32
        %dma_start3A_837 = tpu.memref_slice %arg5[%sub3A_780, %dma_start3A_836] : memref<2x32xf32, #tpu.memory_space<hbm>> -> memref<1x32xf32, #tpu.memory_space<hbm>>
        %dma_start3A_838 = tpu.memref_squeeze %dma_start3A_837 : memref<1x32xf32, #tpu.memory_space<hbm>> -> memref<32xf32, #tpu.memory_space<hbm>>
        %dma_start3A_839 = arith.constant 0 : i32
        %dma_start3A_840 = tpu.memref_slice %arg5[%sub3A_780, %dma_start3A_839] : memref<2x32xf32, #tpu.memory_space<hbm>> -> memref<1x32xf32, #tpu.memory_space<hbm>>
        %dma_start3A_841 = tpu.memref_squeeze %dma_start3A_840 : memref<1x32xf32, #tpu.memory_space<hbm>> -> memref<32xf32, #tpu.memory_space<hbm>>
        tpu.enqueue_dma source(%dma_start3A_841 : memref<32xf32, #tpu.memory_space<hbm>>) target(%arg14 : memref<32xf32, #tpu.memory_space<vmem>>) target_semaphore(%run_scoped3A : memref<!tpu.dma_semaphore, #tpu.memory_space<semaphore_mem>>)
        %dma_wait3A_842 = arith.constant 0 : i32
        %dma_wait3A_843 = tpu.memref_slice %arg5[%sub3A_780, %dma_wait3A_842] : memref<2x32xf32, #tpu.memory_space<hbm>> -> memref<1x32xf32, #tpu.memory_space<hbm>>
        %dma_wait3A_844 = tpu.memref_squeeze %dma_wait3A_843 : memref<1x32xf32, #tpu.memory_space<hbm>> -> memref<32xf32, #tpu.memory_space<hbm>>
        %dma_wait3A_845 = arith.constant 0 : i32
        %dma_wait3A_846 = tpu.memref_slice %arg5[%sub3A_780, %dma_wait3A_845] : memref<2x32xf32, #tpu.memory_space<hbm>> -> memref<1x32xf32, #tpu.memory_space<hbm>>
        %dma_wait3A_847 = tpu.memref_squeeze %dma_wait3A_846 : memref<1x32xf32, #tpu.memory_space<hbm>> -> memref<32xf32, #tpu.memory_space<hbm>>
        tpu.wait_dma2 semaphore(%run_scoped3A : memref<!tpu.dma_semaphore, #tpu.memory_space<semaphore_mem>>) src(%dma_wait3A_847 : memref<32xf32, #tpu.memory_space<hbm>>) dst(%arg14 : memref<32xf32, #tpu.memory_space<vmem>>)
        tpu.yield
      }) : () -> ()
      %get3A_781 = arith.constant 0 : index
      %get3A_782 = tpu.vector_load %arg14[%get3A_781] {strides = array<i32>} : memref<32xf32, #tpu.memory_space<vmem>>, vector<16xf32>,
      %get3A_783 = vector.shape_cast %get3A_782 : vector<16xf32> to vector<16xf32>
      %get3A_784 = arith.constant 16 : index
      %get3A_785 = tpu.vector_load %arg14[%get3A_784] {strides = array<i32>} : memref<32xf32, #tpu.memory_space<vmem>>, vector<16xf32>,
      %get3A_786 = vector.shape_cast %get3A_785 : vector<16xf32> to vector<16xf32>
      %max3A_787 = arith.maximumf %max3A_605, %get3A_783 : vector<16xf32>
      %sub3A_788 = arith.subf %max3A_605, %max3A_787 : vector<16xf32>
      %exp3A_789 = math.exp %sub3A_788 : vector<16xf32>
      %mul3A_790 = arith.mulf %add3A_767, %exp3A_789 : vector<16xf32>
      %sub3A_791 = arith.subf %get3A_783, %max3A_787 : vector<16xf32>
      %exp3A_792 = math.exp %sub3A_791 : vector<16xf32>
      %mul3A_793 = arith.mulf %get3A_786, %exp3A_792 : vector<16xf32>
      %add3A_794 = arith.addf %mul3A_790, %mul3A_793 : vector<16xf32>
      %bitcast_convert_type3A = tpu.bitcast %add3A_794 : vector<16xf32> -> vector<16xi32>
      %convert_element_type3A_795 = arith.sitofp %bitcast_convert_type3A : vector<16xi32> to vector<16xf32>
      %mul3A_796 = arith.constant 1.1920929E-7 : f32
      %mul3A_797 = vector.broadcast %mul3A_796 : f32 to vector<16xf32>
      %mul3A_798 = arith.mulf %convert_element_type3A_795, %mul3A_797 : vector<16xf32>
      %sub3A_799 = arith.constant 1.270000e+02 : f32
      %sub3A_800 = vector.broadcast %sub3A_799 : f32 to vector<16xf32>
      %sub3A_801 = arith.subf %mul3A_798, %sub3A_800 : vector<16xf32>
      %mul3A_802 = arith.constant 0.693147182 : f32
      %mul3A_803 = vector.broadcast %mul3A_802 : f32 to vector<16xf32>
      %mul3A_804 = arith.mulf %sub3A_801, %mul3A_803 : vector<16xf32>
      %neg3A = arith.constant 0.000000e+00 : f32
      %neg3A_805 = vector.broadcast %neg3A : f32 to vector<16xf32>
      %neg3A_806 = arith.subf %neg3A_805, %mul3A_804 : vector<16xf32>
      %exp3A_807 = math.exp %neg3A_806 : vector<16xf32>
      %mul3A_808 = arith.mulf %add3A_794, %exp3A_807 : vector<16xf32>
      %add3A_809 = arith.addf %mul3A_804, %mul3A_808 : vector<16xf32>
      %sub3A_810 = arith.constant 1.000000e+00 : f32
      %sub3A_811 = vector.broadcast %sub3A_810 : f32 to vector<16xf32>
      %sub3A_812 = arith.subf %add3A_809, %sub3A_811 : vector<16xf32>
      %neg3A_813 = arith.constant 0.000000e+00 : f32
      %neg3A_814 = vector.broadcast %neg3A_813 : f32 to vector<16xf32>
      %neg3A_815 = arith.subf %neg3A_814, %sub3A_812 : vector<16xf32>
      %exp3A_816 = math.exp %neg3A_815 : vector<16xf32>
      %mul3A_817 = arith.mulf %add3A_794, %exp3A_816 : vector<16xf32>
      %add3A_818 = arith.addf %sub3A_812, %mul3A_817 : vector<16xf32>
      %sub3A_819 = arith.constant 1.000000e+00 : f32
      %sub3A_820 = vector.broadcast %sub3A_819 : f32 to vector<16xf32>
      %sub3A_821 = arith.subf %add3A_818, %sub3A_820 : vector<16xf32>
      %neg3A_822 = arith.constant 0.000000e+00 : f32
      %neg3A_823 = vector.broadcast %neg3A_822 : f32 to vector<16xf32>
      %neg3A_824 = arith.subf %neg3A_823, %sub3A_821 : vector<16xf32>
      %exp3A_825 = math.exp %neg3A_824 : vector<16xf32>
      %mul3A_826 = arith.mulf %add3A_794, %exp3A_825 : vector<16xf32>
      %add3A_827 = arith.addf %sub3A_821, %mul3A_826 : vector<16xf32>
      %sub3A_828 = arith.constant 1.000000e+00 : f32
      %sub3A_829 = vector.broadcast %sub3A_828 : f32 to vector<16xf32>
      %sub3A_830 = arith.subf %add3A_827, %sub3A_829 : vector<16xf32>
      %add3A_831 = arith.addf %max3A_787, %sub3A_830 : vector<16xf32>
      %swap3A_832 = arith.constant 0 : index
      %swap3A_833 = tpu.vector_load %arg15[%swap3A_832] {strides = array<i32>} : memref<16xf32, #tpu.memory_space<vmem>>, vector<16xf32>,
      %swap3A_834 = vector.shape_cast %swap3A_833 : vector<16xf32> to vector<16xf32>
      %swap3A_835 = vector.shape_cast %add3A_831 : vector<16xf32> to vector<16xf32>
      tpu.vector_store %arg15[%swap3A_832], %swap3A_835 {strides = array<i32>} : memref<16xf32, #tpu.memory_space<vmem>>, vector<16xf32>,
      "tpu.region"() ({
        %run_scoped3A = tpu.sem_alloc : memref<!tpu.dma_semaphore, #tpu.memory_space<semaphore_mem>>
        tpu.enqueue_dma source(%arg15 : memref<16xf32, #tpu.memory_space<vmem>>) target(%arg19 : memref<16xf32, #tpu.memory_space<vmem_shared>>) target_semaphore(%run_scoped3A : memref<!tpu.dma_semaphore, #tpu.memory_space<semaphore_mem>>)
        tpu.wait_dma2 semaphore(%run_scoped3A : memref<!tpu.dma_semaphore, #tpu.memory_space<semaphore_mem>>) src(%arg15 : memref<16xf32, #tpu.memory_space<vmem>>) dst(%arg19 : memref<16xf32, #tpu.memory_space<vmem_shared>>)
        tpu.yield
      }) : () -> ()
    } else {
    }
    %barrier3A_257 = arith.constant 0 : index
    tpu.barrier barrier_id(%barrier3A_257)
    "tpu.region"() ({
      %run_scoped3A = tpu.sem_alloc : memref<!tpu.dma_semaphore, #tpu.memory_space<semaphore_mem>>
      tpu.enqueue_dma source(%arg19 : memref<16xf32, #tpu.memory_space<vmem_shared>>) target(%arg16 : memref<16xf32, #tpu.memory_space<vmem>>) target_semaphore(%run_scoped3A : memref<!tpu.dma_semaphore, #tpu.memory_space<semaphore_mem>>)
      tpu.wait_dma2 semaphore(%run_scoped3A : memref<!tpu.dma_semaphore, #tpu.memory_space<semaphore_mem>>) src(%arg19 : memref<16xf32, #tpu.memory_space<vmem_shared>>) dst(%arg16 : memref<16xf32, #tpu.memory_space<vmem>>)
      tpu.yield
    }) : () -> ()
    %get3A_258 = arith.constant 0 : index
    %get3A_259 = tpu.vector_load %arg16[%get3A_258] {strides = array<i32>} : memref<16xf32, #tpu.memory_space<vmem>>, vector<16xf32>,
    %get3A_260 = vector.shape_cast %get3A_259 : vector<16xf32> to vector<16xf32>
    %dma_wait3A_261 = arith.constant 0 : i32
    %dma_wait3A_262 = tpu.memref_slice %arg7[%dma_wait3A_261] : memref<512xf32, #tpu.memory_space<vmem>> -> memref<128xf32, #tpu.memory_space<vmem>>
    %dma_wait3A_263 = arith.constant 0 : i32
    %dma_wait3A_264 = tpu.memref_slice %arg6[%dma_wait3A_263] : memref<512xi32, #tpu.memory_space<vmem>> -> memref<128xi32, #tpu.memory_space<vmem>>
    %dma_wait3A_265 = arith.constant 0 : i32
    %dma_wait3A_266 = tpu.memref_slice %arg2[%dma_wait3A_265] : memref<1000000xf32, #tpu.memory_space<hbm>> -> memref<1000000xf32, #tpu.memory_space<hbm>>
    tpu.wait_indirect_dma semaphore(%arg21 : memref<!tpu.dma_semaphore, #tpu.memory_space<semaphore_mem>>) src(%dma_wait3A_266 : memref<1000000xf32, #tpu.memory_space<hbm>>) dst(%dma_wait3A_262 : memref<128xf32, #tpu.memory_space<vmem>>)
    %dma_wait3A_267 = arith.constant 128 : i32
    %dma_wait3A_268 = tpu.memref_slice %arg7[%dma_wait3A_267] : memref<512xf32, #tpu.memory_space<vmem>> -> memref<128xf32, #tpu.memory_space<vmem>>
    %dma_wait3A_269 = arith.constant 128 : i32
    %dma_wait3A_270 = tpu.memref_slice %arg6[%dma_wait3A_269] : memref<512xi32, #tpu.memory_space<vmem>> -> memref<128xi32, #tpu.memory_space<vmem>>
    %dma_wait3A_271 = arith.constant 0 : i32
    %dma_wait3A_272 = tpu.memref_slice %arg2[%dma_wait3A_271] : memref<1000000xf32, #tpu.memory_space<hbm>> -> memref<1000000xf32, #tpu.memory_space<hbm>>
    tpu.wait_indirect_dma semaphore(%arg21 : memref<!tpu.dma_semaphore, #tpu.memory_space<semaphore_mem>>) src(%dma_wait3A_272 : memref<1000000xf32, #tpu.memory_space<hbm>>) dst(%dma_wait3A_268 : memref<128xf32, #tpu.memory_space<vmem>>)
    %dma_wait3A_273 = arith.constant 256 : i32
    %dma_wait3A_274 = tpu.memref_slice %arg7[%dma_wait3A_273] : memref<512xf32, #tpu.memory_space<vmem>> -> memref<128xf32, #tpu.memory_space<vmem>>
    %dma_wait3A_275 = arith.constant 256 : i32
    %dma_wait3A_276 = tpu.memref_slice %arg6[%dma_wait3A_275] : memref<512xi32, #tpu.memory_space<vmem>> -> memref<128xi32, #tpu.memory_space<vmem>>
    %dma_wait3A_277 = arith.constant 0 : i32
    %dma_wait3A_278 = tpu.memref_slice %arg2[%dma_wait3A_277] : memref<1000000xf32, #tpu.memory_space<hbm>> -> memref<1000000xf32, #tpu.memory_space<hbm>>
    tpu.wait_indirect_dma semaphore(%arg21 : memref<!tpu.dma_semaphore, #tpu.memory_space<semaphore_mem>>) src(%dma_wait3A_278 : memref<1000000xf32, #tpu.memory_space<hbm>>) dst(%dma_wait3A_274 : memref<128xf32, #tpu.memory_space<vmem>>)
    %dma_wait3A_279 = arith.constant 384 : i32
    %dma_wait3A_280 = tpu.memref_slice %arg7[%dma_wait3A_279] : memref<512xf32, #tpu.memory_space<vmem>> -> memref<128xf32, #tpu.memory_space<vmem>>
    %dma_wait3A_281 = arith.constant 384 : i32
    %dma_wait3A_282 = tpu.memref_slice %arg6[%dma_wait3A_281] : memref<512xi32, #tpu.memory_space<vmem>> -> memref<128xi32, #tpu.memory_space<vmem>>
    %dma_wait3A_283 = arith.constant 0 : i32
    %dma_wait3A_284 = tpu.memref_slice %arg2[%dma_wait3A_283] : memref<1000000xf32, #tpu.memory_space<hbm>> -> memref<1000000xf32, #tpu.memory_space<hbm>>
    tpu.wait_indirect_dma semaphore(%arg21 : memref<!tpu.dma_semaphore, #tpu.memory_space<semaphore_mem>>) src(%dma_wait3A_284 : memref<1000000xf32, #tpu.memory_space<hbm>>) dst(%dma_wait3A_280 : memref<128xf32, #tpu.memory_space<vmem>>)
    %get3A_285 = arith.constant 0 : index
    %get3A_286 = tpu.vector_load %arg7[%get3A_285] {strides = array<i32>} : memref<512xf32, #tpu.memory_space<vmem>>, vector<16xf32>,
    %get3A_287 = vector.shape_cast %get3A_286 : vector<16xf32> to vector<16xf32>
    %sub3A_288 = arith.subf %get3A_287, %get3A_260 : vector<16xf32>
    %swap3A_289 = arith.constant 0 : index
    %swap3A_290 = tpu.vector_load %arg7[%swap3A_289] {strides = array<i32>} : memref<512xf32, #tpu.memory_space<vmem>>, vector<16xf32>,
    %swap3A_291 = vector.shape_cast %swap3A_290 : vector<16xf32> to vector<16xf32>
    %swap3A_292 = vector.shape_cast %sub3A_288 : vector<16xf32> to vector<16xf32>
    tpu.vector_store %arg7[%swap3A_289], %swap3A_292 {strides = array<i32>} : memref<512xf32, #tpu.memory_space<vmem>>, vector<16xf32>,
    %get3A_293 = arith.constant 16 : index
    %get3A_294 = tpu.vector_load %arg7[%get3A_293] {strides = array<i32>} : memref<512xf32, #tpu.memory_space<vmem>>, vector<16xf32>,
    %get3A_295 = vector.shape_cast %get3A_294 : vector<16xf32> to vector<16xf32>
    %sub3A_296 = arith.subf %get3A_295, %get3A_260 : vector<16xf32>
    %swap3A_297 = arith.constant 16 : index
    %swap3A_298 = tpu.vector_load %arg7[%swap3A_297] {strides = array<i32>} : memref<512xf32, #tpu.memory_space<vmem>>, vector<16xf32>,
    %swap3A_299 = vector.shape_cast %swap3A_298 : vector<16xf32> to vector<16xf32>
    %swap3A_300 = vector.shape_cast %sub3A_296 : vector<16xf32> to vector<16xf32>
    tpu.vector_store %arg7[%swap3A_297], %swap3A_300 {strides = array<i32>} : memref<512xf32, #tpu.memory_space<vmem>>, vector<16xf32>,
    %get3A_301 = arith.constant 32 : index
    %get3A_302 = tpu.vector_load %arg7[%get3A_301] {strides = array<i32>} : memref<512xf32, #tpu.memory_space<vmem>>, vector<16xf32>,
    %get3A_303 = vector.shape_cast %get3A_302 : vector<16xf32> to vector<16xf32>
    %sub3A_304 = arith.subf %get3A_303, %get3A_260 : vector<16xf32>
    %swap3A_305 = arith.constant 32 : index
    %swap3A_306 = tpu.vector_load %arg7[%swap3A_305] {strides = array<i32>} : memref<512xf32, #tpu.memory_space<vmem>>, vector<16xf32>,
    %swap3A_307 = vector.shape_cast %swap3A_306 : vector<16xf32> to vector<16xf32>
    %swap3A_308 = vector.shape_cast %sub3A_304 : vector<16xf32> to vector<16xf32>
    tpu.vector_store %arg7[%swap3A_305], %swap3A_308 {strides = array<i32>} : memref<512xf32, #tpu.memory_space<vmem>>, vector<16xf32>,
    %get3A_309 = arith.constant 48 : index
    %get3A_310 = tpu.vector_load %arg7[%get3A_309] {strides = array<i32>} : memref<512xf32, #tpu.memory_space<vmem>>, vector<16xf32>,
    %get3A_311 = vector.shape_cast %get3A_310 : vector<16xf32> to vector<16xf32>
    %sub3A_312 = arith.subf %get3A_311, %get3A_260 : vector<16xf32>
    %swap3A_313 = arith.constant 48 : index
    %swap3A_314 = tpu.vector_load %arg7[%swap3A_313] {strides = array<i32>} : memref<512xf32, #tpu.memory_space<vmem>>, vector<16xf32>,
    %swap3A_315 = vector.shape_cast %swap3A_314 : vector<16xf32> to vector<16xf32>
    %swap3A_316 = vector.shape_cast %sub3A_312 : vector<16xf32> to vector<16xf32>
    tpu.vector_store %arg7[%swap3A_313], %swap3A_316 {strides = array<i32>} : memref<512xf32, #tpu.memory_space<vmem>>, vector<16xf32>,
    %get3A_317 = arith.constant 64 : index
    %get3A_318 = tpu.vector_load %arg7[%get3A_317] {strides = array<i32>} : memref<512xf32, #tpu.memory_space<vmem>>, vector<16xf32>,
    %get3A_319 = vector.shape_cast %get3A_318 : vector<16xf32> to vector<16xf32>
    %sub3A_320 = arith.subf %get3A_319, %get3A_260 : vector<16xf32>
    %swap3A_321 = arith.constant 64 : index
    %swap3A_322 = tpu.vector_load %arg7[%swap3A_321] {strides = array<i32>} : memref<512xf32, #tpu.memory_space<vmem>>, vector<16xf32>,
    %swap3A_323 = vector.shape_cast %swap3A_322 : vector<16xf32> to vector<16xf32>
    %swap3A_324 = vector.shape_cast %sub3A_320 : vector<16xf32> to vector<16xf32>
    tpu.vector_store %arg7[%swap3A_321], %swap3A_324 {strides = array<i32>} : memref<512xf32, #tpu.memory_space<vmem>>, vector<16xf32>,
    %get3A_325 = arith.constant 80 : index
    %get3A_326 = tpu.vector_load %arg7[%get3A_325] {strides = array<i32>} : memref<512xf32, #tpu.memory_space<vmem>>, vector<16xf32>,
    %get3A_327 = vector.shape_cast %get3A_326 : vector<16xf32> to vector<16xf32>
    %sub3A_328 = arith.subf %get3A_327, %get3A_260 : vector<16xf32>
    %swap3A_329 = arith.constant 80 : index
    %swap3A_330 = tpu.vector_load %arg7[%swap3A_329] {strides = array<i32>} : memref<512xf32, #tpu.memory_space<vmem>>, vector<16xf32>,
    %swap3A_331 = vector.shape_cast %swap3A_330 : vector<16xf32> to vector<16xf32>
    %swap3A_332 = vector.shape_cast %sub3A_328 : vector<16xf32> to vector<16xf32>
    tpu.vector_store %arg7[%swap3A_329], %swap3A_332 {strides = array<i32>} : memref<512xf32, #tpu.memory_space<vmem>>, vector<16xf32>,
    %get3A_333 = arith.constant 96 : index
    %get3A_334 = tpu.vector_load %arg7[%get3A_333] {strides = array<i32>} : memref<512xf32, #tpu.memory_space<vmem>>, vector<16xf32>,
    %get3A_335 = vector.shape_cast %get3A_334 : vector<16xf32> to vector<16xf32>
    %sub3A_336 = arith.subf %get3A_335, %get3A_260 : vector<16xf32>
    %swap3A_337 = arith.constant 96 : index
    %swap3A_338 = tpu.vector_load %arg7[%swap3A_337] {strides = array<i32>} : memref<512xf32, #tpu.memory_space<vmem>>, vector<16xf32>,
    %swap3A_339 = vector.shape_cast %swap3A_338 : vector<16xf32> to vector<16xf32>
    %swap3A_340 = vector.shape_cast %sub3A_336 : vector<16xf32> to vector<16xf32>
    tpu.vector_store %arg7[%swap3A_337], %swap3A_340 {strides = array<i32>} : memref<512xf32, #tpu.memory_space<vmem>>, vector<16xf32>,
    %get3A_341 = arith.constant 112 : index
    %get3A_342 = tpu.vector_load %arg7[%get3A_341] {strides = array<i32>} : memref<512xf32, #tpu.memory_space<vmem>>, vector<16xf32>,
    %get3A_343 = vector.shape_cast %get3A_342 : vector<16xf32> to vector<16xf32>
    %sub3A_344 = arith.subf %get3A_343, %get3A_260 : vector<16xf32>
    %swap3A_345 = arith.constant 112 : index
    %swap3A_346 = tpu.vector_load %arg7[%swap3A_345] {strides = array<i32>} : memref<512xf32, #tpu.memory_space<vmem>>, vector<16xf32>,
    %swap3A_347 = vector.shape_cast %swap3A_346 : vector<16xf32> to vector<16xf32>
    %swap3A_348 = vector.shape_cast %sub3A_344 : vector<16xf32> to vector<16xf32>
    tpu.vector_store %arg7[%swap3A_345], %swap3A_348 {strides = array<i32>} : memref<512xf32, #tpu.memory_space<vmem>>, vector<16xf32>,
    %get3A_349 = arith.constant 128 : index
    %get3A_350 = tpu.vector_load %arg7[%get3A_349] {strides = array<i32>} : memref<512xf32, #tpu.memory_space<vmem>>, vector<16xf32>,
    %get3A_351 = vector.shape_cast %get3A_350 : vector<16xf32> to vector<16xf32>
    %sub3A_352 = arith.subf %get3A_351, %get3A_260 : vector<16xf32>
    %swap3A_353 = arith.constant 128 : index
    %swap3A_354 = tpu.vector_load %arg7[%swap3A_353] {strides = array<i32>} : memref<512xf32, #tpu.memory_space<vmem>>, vector<16xf32>,
    %swap3A_355 = vector.shape_cast %swap3A_354 : vector<16xf32> to vector<16xf32>
    %swap3A_356 = vector.shape_cast %sub3A_352 : vector<16xf32> to vector<16xf32>
    tpu.vector_store %arg7[%swap3A_353], %swap3A_356 {strides = array<i32>} : memref<512xf32, #tpu.memory_space<vmem>>, vector<16xf32>,
    %get3A_357 = arith.constant 144 : index
    %get3A_358 = tpu.vector_load %arg7[%get3A_357] {strides = array<i32>} : memref<512xf32, #tpu.memory_space<vmem>>, vector<16xf32>,
    %get3A_359 = vector.shape_cast %get3A_358 : vector<16xf32> to vector<16xf32>
    %sub3A_360 = arith.subf %get3A_359, %get3A_260 : vector<16xf32>
    %swap3A_361 = arith.constant 144 : index
    %swap3A_362 = tpu.vector_load %arg7[%swap3A_361] {strides = array<i32>} : memref<512xf32, #tpu.memory_space<vmem>>, vector<16xf32>,
    %swap3A_363 = vector.shape_cast %swap3A_362 : vector<16xf32> to vector<16xf32>
    %swap3A_364 = vector.shape_cast %sub3A_360 : vector<16xf32> to vector<16xf32>
    tpu.vector_store %arg7[%swap3A_361], %swap3A_364 {strides = array<i32>} : memref<512xf32, #tpu.memory_space<vmem>>, vector<16xf32>,
    %get3A_365 = arith.constant 160 : index
    %get3A_366 = tpu.vector_load %arg7[%get3A_365] {strides = array<i32>} : memref<512xf32, #tpu.memory_space<vmem>>, vector<16xf32>,
    %get3A_367 = vector.shape_cast %get3A_366 : vector<16xf32> to vector<16xf32>
    %sub3A_368 = arith.subf %get3A_367, %get3A_260 : vector<16xf32>
    %swap3A_369 = arith.constant 160 : index
    %swap3A_370 = tpu.vector_load %arg7[%swap3A_369] {strides = array<i32>} : memref<512xf32, #tpu.memory_space<vmem>>, vector<16xf32>,
    %swap3A_371 = vector.shape_cast %swap3A_370 : vector<16xf32> to vector<16xf32>
    %swap3A_372 = vector.shape_cast %sub3A_368 : vector<16xf32> to vector<16xf32>
    tpu.vector_store %arg7[%swap3A_369], %swap3A_372 {strides = array<i32>} : memref<512xf32, #tpu.memory_space<vmem>>, vector<16xf32>,
    %get3A_373 = arith.constant 176 : index
    %get3A_374 = tpu.vector_load %arg7[%get3A_373] {strides = array<i32>} : memref<512xf32, #tpu.memory_space<vmem>>, vector<16xf32>,
    %get3A_375 = vector.shape_cast %get3A_374 : vector<16xf32> to vector<16xf32>
    %sub3A_376 = arith.subf %get3A_375, %get3A_260 : vector<16xf32>
    %swap3A_377 = arith.constant 176 : index
    %swap3A_378 = tpu.vector_load %arg7[%swap3A_377] {strides = array<i32>} : memref<512xf32, #tpu.memory_space<vmem>>, vector<16xf32>,
    %swap3A_379 = vector.shape_cast %swap3A_378 : vector<16xf32> to vector<16xf32>
    %swap3A_380 = vector.shape_cast %sub3A_376 : vector<16xf32> to vector<16xf32>
    tpu.vector_store %arg7[%swap3A_377], %swap3A_380 {strides = array<i32>} : memref<512xf32, #tpu.memory_space<vmem>>, vector<16xf32>,
    %get3A_381 = arith.constant 192 : index
    %get3A_382 = tpu.vector_load %arg7[%get3A_381] {strides = array<i32>} : memref<512xf32, #tpu.memory_space<vmem>>, vector<16xf32>,
    %get3A_383 = vector.shape_cast %get3A_382 : vector<16xf32> to vector<16xf32>
    %sub3A_384 = arith.subf %get3A_383, %get3A_260 : vector<16xf32>
    %swap3A_385 = arith.constant 192 : index
    %swap3A_386 = tpu.vector_load %arg7[%swap3A_385] {strides = array<i32>} : memref<512xf32, #tpu.memory_space<vmem>>, vector<16xf32>,
    %swap3A_387 = vector.shape_cast %swap3A_386 : vector<16xf32> to vector<16xf32>
    %swap3A_388 = vector.shape_cast %sub3A_384 : vector<16xf32> to vector<16xf32>
    tpu.vector_store %arg7[%swap3A_385], %swap3A_388 {strides = array<i32>} : memref<512xf32, #tpu.memory_space<vmem>>, vector<16xf32>,
    %get3A_389 = arith.constant 208 : index
    %get3A_390 = tpu.vector_load %arg7[%get3A_389] {strides = array<i32>} : memref<512xf32, #tpu.memory_space<vmem>>, vector<16xf32>,
    %get3A_391 = vector.shape_cast %get3A_390 : vector<16xf32> to vector<16xf32>
    %sub3A_392 = arith.subf %get3A_391, %get3A_260 : vector<16xf32>
    %swap3A_393 = arith.constant 208 : index
    %swap3A_394 = tpu.vector_load %arg7[%swap3A_393] {strides = array<i32>} : memref<512xf32, #tpu.memory_space<vmem>>, vector<16xf32>,
    %swap3A_395 = vector.shape_cast %swap3A_394 : vector<16xf32> to vector<16xf32>
    %swap3A_396 = vector.shape_cast %sub3A_392 : vector<16xf32> to vector<16xf32>
    tpu.vector_store %arg7[%swap3A_393], %swap3A_396 {strides = array<i32>} : memref<512xf32, #tpu.memory_space<vmem>>, vector<16xf32>,
    %get3A_397 = arith.constant 224 : index
    %get3A_398 = tpu.vector_load %arg7[%get3A_397] {strides = array<i32>} : memref<512xf32, #tpu.memory_space<vmem>>, vector<16xf32>,
    %get3A_399 = vector.shape_cast %get3A_398 : vector<16xf32> to vector<16xf32>
    %sub3A_400 = arith.subf %get3A_399, %get3A_260 : vector<16xf32>
    %swap3A_401 = arith.constant 224 : index
    %swap3A_402 = tpu.vector_load %arg7[%swap3A_401] {strides = array<i32>} : memref<512xf32, #tpu.memory_space<vmem>>, vector<16xf32>,
    %swap3A_403 = vector.shape_cast %swap3A_402 : vector<16xf32> to vector<16xf32>
    %swap3A_404 = vector.shape_cast %sub3A_400 : vector<16xf32> to vector<16xf32>
    tpu.vector_store %arg7[%swap3A_401], %swap3A_404 {strides = array<i32>} : memref<512xf32, #tpu.memory_space<vmem>>, vector<16xf32>,
    %get3A_405 = arith.constant 240 : index
    %get3A_406 = tpu.vector_load %arg7[%get3A_405] {strides = array<i32>} : memref<512xf32, #tpu.memory_space<vmem>>, vector<16xf32>,
    %get3A_407 = vector.shape_cast %get3A_406 : vector<16xf32> to vector<16xf32>
    %sub3A_408 = arith.subf %get3A_407, %get3A_260 : vector<16xf32>
    %swap3A_409 = arith.constant 240 : index
    %swap3A_410 = tpu.vector_load %arg7[%swap3A_409] {strides = array<i32>} : memref<512xf32, #tpu.memory_space<vmem>>, vector<16xf32>,
    %swap3A_411 = vector.shape_cast %swap3A_410 : vector<16xf32> to vector<16xf32>
    %swap3A_412 = vector.shape_cast %sub3A_408 : vector<16xf32> to vector<16xf32>
    tpu.vector_store %arg7[%swap3A_409], %swap3A_412 {strides = array<i32>} : memref<512xf32, #tpu.memory_space<vmem>>, vector<16xf32>,
    %get3A_413 = arith.constant 256 : index
    %get3A_414 = tpu.vector_load %arg7[%get3A_413] {strides = array<i32>} : memref<512xf32, #tpu.memory_space<vmem>>, vector<16xf32>,
    %get3A_415 = vector.shape_cast %get3A_414 : vector<16xf32> to vector<16xf32>
    %sub3A_416 = arith.subf %get3A_415, %get3A_260 : vector<16xf32>
    %swap3A_417 = arith.constant 256 : index
    %swap3A_418 = tpu.vector_load %arg7[%swap3A_417] {strides = array<i32>} : memref<512xf32, #tpu.memory_space<vmem>>, vector<16xf32>,
    %swap3A_419 = vector.shape_cast %swap3A_418 : vector<16xf32> to vector<16xf32>
    %swap3A_420 = vector.shape_cast %sub3A_416 : vector<16xf32> to vector<16xf32>
    tpu.vector_store %arg7[%swap3A_417], %swap3A_420 {strides = array<i32>} : memref<512xf32, #tpu.memory_space<vmem>>, vector<16xf32>,
    %get3A_421 = arith.constant 272 : index
    %get3A_422 = tpu.vector_load %arg7[%get3A_421] {strides = array<i32>} : memref<512xf32, #tpu.memory_space<vmem>>, vector<16xf32>,
    %get3A_423 = vector.shape_cast %get3A_422 : vector<16xf32> to vector<16xf32>
    %sub3A_424 = arith.subf %get3A_423, %get3A_260 : vector<16xf32>
    %swap3A_425 = arith.constant 272 : index
    %swap3A_426 = tpu.vector_load %arg7[%swap3A_425] {strides = array<i32>} : memref<512xf32, #tpu.memory_space<vmem>>, vector<16xf32>,
    %swap3A_427 = vector.shape_cast %swap3A_426 : vector<16xf32> to vector<16xf32>
    %swap3A_428 = vector.shape_cast %sub3A_424 : vector<16xf32> to vector<16xf32>
    tpu.vector_store %arg7[%swap3A_425], %swap3A_428 {strides = array<i32>} : memref<512xf32, #tpu.memory_space<vmem>>, vector<16xf32>,
    %get3A_429 = arith.constant 288 : index
    %get3A_430 = tpu.vector_load %arg7[%get3A_429] {strides = array<i32>} : memref<512xf32, #tpu.memory_space<vmem>>, vector<16xf32>,
    %get3A_431 = vector.shape_cast %get3A_430 : vector<16xf32> to vector<16xf32>
    %sub3A_432 = arith.subf %get3A_431, %get3A_260 : vector<16xf32>
    %swap3A_433 = arith.constant 288 : index
    %swap3A_434 = tpu.vector_load %arg7[%swap3A_433] {strides = array<i32>} : memref<512xf32, #tpu.memory_space<vmem>>, vector<16xf32>,
    %swap3A_435 = vector.shape_cast %swap3A_434 : vector<16xf32> to vector<16xf32>
    %swap3A_436 = vector.shape_cast %sub3A_432 : vector<16xf32> to vector<16xf32>
    tpu.vector_store %arg7[%swap3A_433], %swap3A_436 {strides = array<i32>} : memref<512xf32, #tpu.memory_space<vmem>>, vector<16xf32>,
    %get3A_437 = arith.constant 304 : index
    %get3A_438 = tpu.vector_load %arg7[%get3A_437] {strides = array<i32>} : memref<512xf32, #tpu.memory_space<vmem>>, vector<16xf32>,
    %get3A_439 = vector.shape_cast %get3A_438 : vector<16xf32> to vector<16xf32>
    %sub3A_440 = arith.subf %get3A_439, %get3A_260 : vector<16xf32>
    %swap3A_441 = arith.constant 304 : index
    %swap3A_442 = tpu.vector_load %arg7[%swap3A_441] {strides = array<i32>} : memref<512xf32, #tpu.memory_space<vmem>>, vector<16xf32>,
    %swap3A_443 = vector.shape_cast %swap3A_442 : vector<16xf32> to vector<16xf32>
    %swap3A_444 = vector.shape_cast %sub3A_440 : vector<16xf32> to vector<16xf32>
    tpu.vector_store %arg7[%swap3A_441], %swap3A_444 {strides = array<i32>} : memref<512xf32, #tpu.memory_space<vmem>>, vector<16xf32>,
    %get3A_445 = arith.constant 320 : index
    %get3A_446 = tpu.vector_load %arg7[%get3A_445] {strides = array<i32>} : memref<512xf32, #tpu.memory_space<vmem>>, vector<16xf32>,
    %get3A_447 = vector.shape_cast %get3A_446 : vector<16xf32> to vector<16xf32>
    %sub3A_448 = arith.subf %get3A_447, %get3A_260 : vector<16xf32>
    %swap3A_449 = arith.constant 320 : index
    %swap3A_450 = tpu.vector_load %arg7[%swap3A_449] {strides = array<i32>} : memref<512xf32, #tpu.memory_space<vmem>>, vector<16xf32>,
    %swap3A_451 = vector.shape_cast %swap3A_450 : vector<16xf32> to vector<16xf32>
    %swap3A_452 = vector.shape_cast %sub3A_448 : vector<16xf32> to vector<16xf32>
    tpu.vector_store %arg7[%swap3A_449], %swap3A_452 {strides = array<i32>} : memref<512xf32, #tpu.memory_space<vmem>>, vector<16xf32>,
    %get3A_453 = arith.constant 336 : index
    %get3A_454 = tpu.vector_load %arg7[%get3A_453] {strides = array<i32>} : memref<512xf32, #tpu.memory_space<vmem>>, vector<16xf32>,
    %get3A_455 = vector.shape_cast %get3A_454 : vector<16xf32> to vector<16xf32>
    %sub3A_456 = arith.subf %get3A_455, %get3A_260 : vector<16xf32>
    %swap3A_457 = arith.constant 336 : index
    %swap3A_458 = tpu.vector_load %arg7[%swap3A_457] {strides = array<i32>} : memref<512xf32, #tpu.memory_space<vmem>>, vector<16xf32>,
    %swap3A_459 = vector.shape_cast %swap3A_458 : vector<16xf32> to vector<16xf32>
    %swap3A_460 = vector.shape_cast %sub3A_456 : vector<16xf32> to vector<16xf32>
    tpu.vector_store %arg7[%swap3A_457], %swap3A_460 {strides = array<i32>} : memref<512xf32, #tpu.memory_space<vmem>>, vector<16xf32>,
    %get3A_461 = arith.constant 352 : index
    %get3A_462 = tpu.vector_load %arg7[%get3A_461] {strides = array<i32>} : memref<512xf32, #tpu.memory_space<vmem>>, vector<16xf32>,
    %get3A_463 = vector.shape_cast %get3A_462 : vector<16xf32> to vector<16xf32>
    %sub3A_464 = arith.subf %get3A_463, %get3A_260 : vector<16xf32>
    %swap3A_465 = arith.constant 352 : index
    %swap3A_466 = tpu.vector_load %arg7[%swap3A_465] {strides = array<i32>} : memref<512xf32, #tpu.memory_space<vmem>>, vector<16xf32>,
    %swap3A_467 = vector.shape_cast %swap3A_466 : vector<16xf32> to vector<16xf32>
    %swap3A_468 = vector.shape_cast %sub3A_464 : vector<16xf32> to vector<16xf32>
    tpu.vector_store %arg7[%swap3A_465], %swap3A_468 {strides = array<i32>} : memref<512xf32, #tpu.memory_space<vmem>>, vector<16xf32>,
    %get3A_469 = arith.constant 368 : index
    %get3A_470 = tpu.vector_load %arg7[%get3A_469] {strides = array<i32>} : memref<512xf32, #tpu.memory_space<vmem>>, vector<16xf32>,
    %get3A_471 = vector.shape_cast %get3A_470 : vector<16xf32> to vector<16xf32>
    %sub3A_472 = arith.subf %get3A_471, %get3A_260 : vector<16xf32>
    %swap3A_473 = arith.constant 368 : index
    %swap3A_474 = tpu.vector_load %arg7[%swap3A_473] {strides = array<i32>} : memref<512xf32, #tpu.memory_space<vmem>>, vector<16xf32>,
    %swap3A_475 = vector.shape_cast %swap3A_474 : vector<16xf32> to vector<16xf32>
    %swap3A_476 = vector.shape_cast %sub3A_472 : vector<16xf32> to vector<16xf32>
    tpu.vector_store %arg7[%swap3A_473], %swap3A_476 {strides = array<i32>} : memref<512xf32, #tpu.memory_space<vmem>>, vector<16xf32>,
    %get3A_477 = arith.constant 384 : index
    %get3A_478 = tpu.vector_load %arg7[%get3A_477] {strides = array<i32>} : memref<512xf32, #tpu.memory_space<vmem>>, vector<16xf32>,
    %get3A_479 = vector.shape_cast %get3A_478 : vector<16xf32> to vector<16xf32>
    %sub3A_480 = arith.subf %get3A_479, %get3A_260 : vector<16xf32>
    %swap3A_481 = arith.constant 384 : index
    %swap3A_482 = tpu.vector_load %arg7[%swap3A_481] {strides = array<i32>} : memref<512xf32, #tpu.memory_space<vmem>>, vector<16xf32>,
    %swap3A_483 = vector.shape_cast %swap3A_482 : vector<16xf32> to vector<16xf32>
    %swap3A_484 = vector.shape_cast %sub3A_480 : vector<16xf32> to vector<16xf32>
    tpu.vector_store %arg7[%swap3A_481], %swap3A_484 {strides = array<i32>} : memref<512xf32, #tpu.memory_space<vmem>>, vector<16xf32>,
    %get3A_485 = arith.constant 400 : index
    %get3A_486 = tpu.vector_load %arg7[%get3A_485] {strides = array<i32>} : memref<512xf32, #tpu.memory_space<vmem>>, vector<16xf32>,
    %get3A_487 = vector.shape_cast %get3A_486 : vector<16xf32> to vector<16xf32>
    %sub3A_488 = arith.subf %get3A_487, %get3A_260 : vector<16xf32>
    %swap3A_489 = arith.constant 400 : index
    %swap3A_490 = tpu.vector_load %arg7[%swap3A_489] {strides = array<i32>} : memref<512xf32, #tpu.memory_space<vmem>>, vector<16xf32>,
    %swap3A_491 = vector.shape_cast %swap3A_490 : vector<16xf32> to vector<16xf32>
    %swap3A_492 = vector.shape_cast %sub3A_488 : vector<16xf32> to vector<16xf32>
    tpu.vector_store %arg7[%swap3A_489], %swap3A_492 {strides = array<i32>} : memref<512xf32, #tpu.memory_space<vmem>>, vector<16xf32>,
    %get3A_493 = arith.constant 416 : index
    %get3A_494 = tpu.vector_load %arg7[%get3A_493] {strides = array<i32>} : memref<512xf32, #tpu.memory_space<vmem>>, vector<16xf32>,
    %get3A_495 = vector.shape_cast %get3A_494 : vector<16xf32> to vector<16xf32>
    %sub3A_496 = arith.subf %get3A_495, %get3A_260 : vector<16xf32>
    %swap3A_497 = arith.constant 416 : index
    %swap3A_498 = tpu.vector_load %arg7[%swap3A_497] {strides = array<i32>} : memref<512xf32, #tpu.memory_space<vmem>>, vector<16xf32>,
    %swap3A_499 = vector.shape_cast %swap3A_498 : vector<16xf32> to vector<16xf32>
    %swap3A_500 = vector.shape_cast %sub3A_496 : vector<16xf32> to vector<16xf32>
    tpu.vector_store %arg7[%swap3A_497], %swap3A_500 {strides = array<i32>} : memref<512xf32, #tpu.memory_space<vmem>>, vector<16xf32>,
    %get3A_501 = arith.constant 432 : index
    %get3A_502 = tpu.vector_load %arg7[%get3A_501] {strides = array<i32>} : memref<512xf32, #tpu.memory_space<vmem>>, vector<16xf32>,
    %get3A_503 = vector.shape_cast %get3A_502 : vector<16xf32> to vector<16xf32>
    %sub3A_504 = arith.subf %get3A_503, %get3A_260 : vector<16xf32>
    %swap3A_505 = arith.constant 432 : index
    %swap3A_506 = tpu.vector_load %arg7[%swap3A_505] {strides = array<i32>} : memref<512xf32, #tpu.memory_space<vmem>>, vector<16xf32>,
    %swap3A_507 = vector.shape_cast %swap3A_506 : vector<16xf32> to vector<16xf32>
    %swap3A_508 = vector.shape_cast %sub3A_504 : vector<16xf32> to vector<16xf32>
    tpu.vector_store %arg7[%swap3A_505], %swap3A_508 {strides = array<i32>} : memref<512xf32, #tpu.memory_space<vmem>>, vector<16xf32>,
    %get3A_509 = arith.constant 448 : index
    %get3A_510 = tpu.vector_load %arg7[%get3A_509] {strides = array<i32>} : memref<512xf32, #tpu.memory_space<vmem>>, vector<16xf32>,
    %get3A_511 = vector.shape_cast %get3A_510 : vector<16xf32> to vector<16xf32>
    %sub3A_512 = arith.subf %get3A_511, %get3A_260 : vector<16xf32>
    %swap3A_513 = arith.constant 448 : index
    %swap3A_514 = tpu.vector_load %arg7[%swap3A_513] {strides = array<i32>} : memref<512xf32, #tpu.memory_space<vmem>>, vector<16xf32>,
    %swap3A_515 = vector.shape_cast %swap3A_514 : vector<16xf32> to vector<16xf32>
    %swap3A_516 = vector.shape_cast %sub3A_512 : vector<16xf32> to vector<16xf32>
    tpu.vector_store %arg7[%swap3A_513], %swap3A_516 {strides = array<i32>} : memref<512xf32, #tpu.memory_space<vmem>>, vector<16xf32>,
    %get3A_517 = arith.constant 464 : index
    %get3A_518 = tpu.vector_load %arg7[%get3A_517] {strides = array<i32>} : memref<512xf32, #tpu.memory_space<vmem>>, vector<16xf32>,
    %get3A_519 = vector.shape_cast %get3A_518 : vector<16xf32> to vector<16xf32>
    %sub3A_520 = arith.subf %get3A_519, %get3A_260 : vector<16xf32>
    %swap3A_521 = arith.constant 464 : index
    %swap3A_522 = tpu.vector_load %arg7[%swap3A_521] {strides = array<i32>} : memref<512xf32, #tpu.memory_space<vmem>>, vector<16xf32>,
    %swap3A_523 = vector.shape_cast %swap3A_522 : vector<16xf32> to vector<16xf32>
    %swap3A_524 = vector.shape_cast %sub3A_520 : vector<16xf32> to vector<16xf32>
    tpu.vector_store %arg7[%swap3A_521], %swap3A_524 {strides = array<i32>} : memref<512xf32, #tpu.memory_space<vmem>>, vector<16xf32>,
    %get3A_525 = arith.constant 480 : index
    %get3A_526 = tpu.vector_load %arg7[%get3A_525] {strides = array<i32>} : memref<512xf32, #tpu.memory_space<vmem>>, vector<16xf32>,
    %get3A_527 = vector.shape_cast %get3A_526 : vector<16xf32> to vector<16xf32>
    %sub3A_528 = arith.subf %get3A_527, %get3A_260 : vector<16xf32>
    %swap3A_529 = arith.constant 480 : index
    %swap3A_530 = tpu.vector_load %arg7[%swap3A_529] {strides = array<i32>} : memref<512xf32, #tpu.memory_space<vmem>>, vector<16xf32>,
    %swap3A_531 = vector.shape_cast %swap3A_530 : vector<16xf32> to vector<16xf32>
    %swap3A_532 = vector.shape_cast %sub3A_528 : vector<16xf32> to vector<16xf32>
    tpu.vector_store %arg7[%swap3A_529], %swap3A_532 {strides = array<i32>} : memref<512xf32, #tpu.memory_space<vmem>>, vector<16xf32>,
    %get3A_533 = arith.constant 496 : index
    %get3A_534 = tpu.vector_load %arg7[%get3A_533] {strides = array<i32>} : memref<512xf32, #tpu.memory_space<vmem>>, vector<16xf32>,
    %get3A_535 = vector.shape_cast %get3A_534 : vector<16xf32> to vector<16xf32>
    %sub3A_536 = arith.subf %get3A_535, %get3A_260 : vector<16xf32>
    %swap3A_537 = arith.constant 496 : index
    %swap3A_538 = tpu.vector_load %arg7[%swap3A_537] {strides = array<i32>} : memref<512xf32, #tpu.memory_space<vmem>>, vector<16xf32>,
    %swap3A_539 = vector.shape_cast %swap3A_538 : vector<16xf32> to vector<16xf32>
    %swap3A_540 = vector.shape_cast %sub3A_536 : vector<16xf32> to vector<16xf32>
    tpu.vector_store %arg7[%swap3A_537], %swap3A_540 {strides = array<i32>} : memref<512xf32, #tpu.memory_space<vmem>>, vector<16xf32>,
    %mul3A_541 = arith.constant 512 : i32
    %mul3A_542 = arith.muli %add3A, %mul3A_541 : i32
    "tpu.region"() ({
      %run_scoped3A = tpu.sem_alloc : memref<!tpu.dma_semaphore, #tpu.memory_space<semaphore_mem>>
      %dma_start3A_543 = tpu.memref_slice %arg4[%mul3A_542] : memref<16384xf32, #tpu.memory_space<hbm>> -> memref<512xf32, #tpu.memory_space<hbm>>
      %dma_start3A_544 = tpu.memref_slice %arg4[%mul3A_542] : memref<16384xf32, #tpu.memory_space<hbm>> -> memref<512xf32, #tpu.memory_space<hbm>>
      tpu.enqueue_dma source(%arg7 : memref<512xf32, #tpu.memory_space<vmem>>) target(%dma_start3A_544 : memref<512xf32, #tpu.memory_space<hbm>>) target_semaphore(%run_scoped3A : memref<!tpu.dma_semaphore, #tpu.memory_space<semaphore_mem>>)
      %dma_wait3A_545 = tpu.memref_slice %arg4[%mul3A_542] : memref<16384xf32, #tpu.memory_space<hbm>> -> memref<512xf32, #tpu.memory_space<hbm>>
      %dma_wait3A_546 = tpu.memref_slice %arg4[%mul3A_542] : memref<16384xf32, #tpu.memory_space<hbm>> -> memref<512xf32, #tpu.memory_space<hbm>>
      tpu.wait_dma2 semaphore(%run_scoped3A : memref<!tpu.dma_semaphore, #tpu.memory_space<semaphore_mem>>) src(%arg7 : memref<512xf32, #tpu.memory_space<vmem>>) dst(%dma_wait3A_546 : memref<512xf32, #tpu.memory_space<hbm>>)
      tpu.yield
    }) : () -> ()
    return
  }
}

</mosaic_0001>

<sc_bundles>
// kernel: kernel.3.cloned.1.call-start
scs
__scs_entry_jumppad:
0x0: {  	(pc) =	sbr.rel $0x88, $3  }
0x1: {  	(tag) =	ssettag $0x0;
	lr =	simm.s32 $0x1  }
0x2: {  	[smem:$0x3F9F] =	sst lr;
	_ =	strace $0xD0000000  }
0x3: {  	_ = 	snop  }
0x4: {  	_ = 	snop  }
0x5: {  	_ = 	snop  }
0x6: {  	_ = 	snop  }
0x7: {  	_ = 	snop  }
__scs_overlays_trampoline_lowered:
0x8: {  	[smem:$0x3FAE] =	sst s0  }
0x9: {  	[smem:$0x3FAF] =	sst s1  }
0xa: {  	[smem:$0x3FB0] =	sst s2  }
0xb: {  	[smem:$0x3FB1] =	sst s3  }
0xc: {  	[smem:$0x3FB2] =	sst s4  }
0xd: {  	[smem:$0x3FB3] =	sst s5  }
0xe: {  	[smem:$0x3FB4] =	sst s6  }
0xf: {  	[smem:$0x3FB5] =	sst s7  }
0x10: {  	[smem:$0x3FB6] =	sst s8  }
0x11: {  	[smem:$0x3FB7] =	sst s9;
	s0 =	simm.s32 @!p0 $0x0  }
0x12: {  	s1 =	sld [smem:$0x3F9D];
	s0 =	simm.s32 @p0 $0x1  }
0x13: {  	[smem:$0x3FB8] =	sst s0;
	s0 =	simm.s32 @!p1 $0x0  }
0x14: {  	s2 =	sld [smem:$0x3F9C];
	s0 =	simm.s32 @p1 $0x1  }
0x15: {  	[smem:$0x3FB9] =	sst s0;
	s0 =	simm.s32 @!p2 $0x0  }
0x16: {  	s3 =	sld [smem:$0x3FDB];
	s0 =	simm.s32 @p2 $0x1  }
0x17: {  	s4 =	simm.s32 $0x1BF5;
	[smem:$0x3FBB] =	sst s0  }
0x18: {  	s0 =	sld [smem:$0x3F9E];
	_ =	swait.ge [sflag:s4], $0x0  }
0x19: {  	s7 =	sld [smem:$0x3F9F]  }
0x1a: {  	s8 =	sadd.s32 $0xFFFFE003, lr  }
0x1b: {  	s9 =	sadd.s32 $0xFFFFFEF7, lr;
	s5 =	simm.s32 $0xFFFFFFFF;
	p2 =	slt.u32 s8, $0xFFFFF086  }
0x1c: {  	p1 =	slt.u32 s9, $0xF7A;
	s5 =	simm.s32 @!p2 $0x0  }
0x1d: {  	s5 =	simm.s32 @p1 $0x1;
	p0 =	seq.s32 s7, s2  }
0x1e: {  	s7 =	smul.u32 @!p0 $0xF7A, s2;
	p2 =	seq.s32 @!p0 s5, $0x0  }
0x1f: {  	s9 =	smul.u32 $0xF7A, s1;
	s8 =	simm.s32 @!p0 $0x1BF5;
	p2 =	por !p2, p0  }
0x20: {  	[sflag:s8] =	ssyncset.s32 @!p0 $0xFFFFF086;
	s6 =	sadd.s32 @!p0 s3, s7;
	s7 =	simm.s32 @!p0 $0x108  }
0x21: {  	s3 =	sadd.s32 s3, s9;
	s6 =	sadd.s32 @!p0 $0x88, s6;
	s7 =	simm.s32 @p2 $0x1082  }
0x22: {  	[simem:s7], [sflag:s8] =	dma.local @!p0 [hbm:s6], $0xF7A  }
0x23: {  	s9 =	sor.u32 $0xD0000000, s2;
	s6 =	simm.s32 $0x108;
	_ =	swait.ge @!p0 [sflag:s8], $0x0  }
0x24: {  	s3 =	sadd.s32 $0x88, s3;
	s6 =	simm.s32 @!p1 $0x1082;
	[sflag:s4] =	ssyncset.s32 $0xFFFFF086  }
0x25: {  	[simem:s6], [sflag:s4] =	dma.local [hbm:s3], $0xF7A  }
0x26: {  	[smem:$0x3F9F] =	sst s1;
	(tag) =	ssettag s2;
	_ =	strace s9  }
0x27: {  	s1 =	sld [smem:$0x3FAF]  }
0x28: {  	s2 =	sld [smem:$0x3FB0]  }
0x29: {  	s4 =	sld [smem:$0x3FB2]  }
0x2a: {  	p0 =	seq.s32 s5, $0x0;
	s5 =	sld [smem:$0x3FB3]  }
0x2b: {  	s6 =	sld [smem:$0x3FB4]  }
0x2c: {  	s7 =	sld [smem:$0x3FB5]  }
0x2d: {  	s3 =	simm.s32 $0x108;
	s8 =	sld [smem:$0x3FB6]  }
0x2e: {  	s3 =	simm.s32 @!p0 $0x1082;
	s9 =	sld [smem:$0x3FB7]  }
0x2f: {  	lr =	sadd.s32 s0, s3;
	s0 =	sld [smem:$0x3FAE]  }
0x30: {  	s3 =	sld [smem:$0x3FB1]  }
0x31: {  	[smem:$0x3FBA] =	sst s10  }
0x32: {  	s10 =	sld [smem:$0x3FB8];
	_ =	sdelay $0x3  }
0x33: {  	p0 =	seq.s32 s10, $0x1;
	s10 =	sld [smem:$0x3FBA];
	_ =	sdelay $0x3  }
0x34: {  	[smem:$0x3FBA] =	sst s10  }
0x35: {  	s10 =	sld [smem:$0x3FB9];
	_ =	sdelay $0x3  }
0x36: {  	p1 =	seq.s32 s10, $0x1;
	s10 =	sld [smem:$0x3FBA];
	_ =	sdelay $0x3  }
0x37: {  	[smem:$0x3FBA] =	sst s10  }
0x38: {  	s10 =	sld [smem:$0x3FBB]  }
0x39: {  	_ = 	snop;
	(pc) =	sbr.ind lr, $3  }
0x3a: {  	_ = 	snop  }
0x3b: {  	_ = 	snop  }
0x3c: {  	p2 =	seq.s32 s10, $0x1;
	s10 =	sld [smem:$0x3FBA]  }
0x3d: {  	_ =	shalt  }
0x3e: {  	_ =	shalt  }
0x3f: {  	_ =	shalt  }
0x40: {  	_ =	shalt  }
0x41: {  	_ =	shalt  }
0x42: {  	_ =	shalt  }
0x43: {  	_ =	shalt  }
0x44: {  	_ =	shalt  }
0x45: {  	_ =	shalt  }
0x46: {  	_ =	shalt  }
0x47: {  	_ =	shalt  }
0x48: {  	_ =	shalt  }
0x49: {  	_ =	shalt  }
0x4a: {  	_ =	shalt  }
0x4b: {  	_ =	shalt  }
0x4c: {  	_ =	shalt  }
0x4d: {  	_ =	shalt  }
0x4e: {  	_ =	shalt  }
0x4f: {  	_ =	shalt  }
0x50: {  	_ =	shalt  }
0x51: {  	_ =	shalt  }
0x52: {  	_ =	shalt  }
0x53: {  	_ =	shalt  }
0x54: {  	_ =	shalt  }
0x55: {  	_ =	shalt  }
0x56: {  	_ =	shalt  }
0x57: {  	_ =	shalt  }
0x58: {  	_ =	shalt  }
0x59: {  	_ =	shalt  }
0x5a: {  	_ =	shalt  }
0x5b: {  	_ =	shalt  }
0x5c: {  	_ =	shalt  }
0x5d: {  	_ =	shalt  }
0x5e: {  	_ =	shalt  }
0x5f: {  	_ =	shalt  }
0x60: {  	_ =	shalt  }
0x61: {  	_ =	shalt  }
0x62: {  	_ =	shalt  }
0x63: {  	_ =	shalt  }
0x64: {  	_ =	shalt  }
0x65: {  	_ =	shalt  }
0x66: {  	_ =	shalt  }
0x67: {  	_ =	shalt  }
0x68: {  	_ =	shalt  }
0x69: {  	_ =	shalt  }
0x6a: {  	_ =	shalt  }
0x6b: {  	_ =	shalt  }
0x6c: {  	_ =	shalt  }
0x6d: {  	_ =	shalt  }
0x6e: {  	_ =	shalt  }
0x6f: {  	_ =	shalt  }
0x70: {  	_ =	shalt  }
0x71: {  	_ =	shalt  }
0x72: {  	_ =	shalt  }
0x73: {  	_ =	shalt  }
0x74: {  	_ =	shalt  }
0x75: {  	_ =	shalt  }
0x76: {  	_ =	shalt  }
0x77: {  	_ =	shalt  }
0x78: {  	_ =	shalt  }
0x79: {  	_ =	shalt  }
0x7a: {  	_ =	shalt  }
0x7b: {  	_ =	shalt  }
0x7c: {  	_ =	shalt  }
0x7d: {  	_ =	shalt  }
0x7e: {  	_ =	shalt  }
0x7f: {  	_ =	shalt  }
0x80: {  	_ =	shalt  }
0x81: {  	_ =	shalt  }
0x82: {  	_ =	shalt  }
0x83: {  	_ =	shalt  }
0x84: {  	_ =	shalt  }
0x85: {  	_ =	shalt  }
0x86: {  	_ =	shalt  }
0x87: {  	_ =	shalt  }
.Lfunc_end0:
.L_simem_size_0:
called_computation_lowered:
.L_overlay_start_0:
0x88: {  	s2 =	sld [smem:$0x3FD9]  }
0x89: {  	s3 =	sld [smem:$0x3FFE];
	_ =	sdelay $0x1  }
0x8a: {  	s1 =	srdreg.scid  }
0x8b: {  	s0 =	sand.u32 $0x1, s1  }
0x8c: {  	s17 =	sshll.u32 s0, $0xA;
	s2 =	sadd.s32 s3, s2  }
0x8d: {  	s2 =	sadd.s32 s2, s17  }
0x8e: {  	[smem:$0x3FC6] =	sst s2  }
0x8f: {  	_ = 	snop  }
0x90: {  	s2 =	sld [smem:$0x3FC9]  }
0x91: {  	s18 =	sld [smem:$0x3FC8]  }
0x92: {  	s4 =	sld [smem:$0x3FD0];
	(tm) =	ssettm $0x1  }
0x93: {  	s5 =	sld [smem:$0x3FFB];
	_ =	sdelay $0x3  }
0x94: {  	_ =	strace s5  }
0x95: {  	s5 =	sld [smem:$0x3FFC];
	_ =	sdelay $0x3  }
0x96: {  	_ =	strace s5  }
0x97: {  	s5 =	sld [smem:$0x3FFD];
	_ =	sdelay $0x3  }
0x98: {  	_ =	strace s5  }
0x99: {  	_ =	strace $0x8FFFFFFF  }
0x9a: {  	s19 =	sld [smem:$0x3FDB];
	_ =	sdelay $0x1  }
0x9b: {  	s6 =	simm.s32 $_scs_section_size  }
0x9c: {  	s7 =	simm.s32 $_size__tile_overlayer_lowered;
	s8 =	simm.s32 $_tile_overlayer_lowered  }
0x9d: {  	s22 =	simm.s32 $0x1BFF;
	s21 =	sshll.u32 s8, $0x1;
	s5 =	sadd.s32 s6, s19  }
0x9e: {  	s9 =	simm.s32 $0x0;
	s20 =	sshll.u32 s7, $0x1;
	s7 =	sadd.s32 s21, s5  }
0x9f: {  	[timem:s9], [sflag:s22] =	dma.local [hbm:s7], s20  }
0xa0: {  	_ =	swait.ge [sflag:s22], s20  }
0xa1: {  	s6 =	ssub.s32 $0x0, s20;
	[sflag:s22] =	ssyncset.done $0x0  }
0xa2: {  	[sflag:s22] =	ssyncadd.s32 s6;
	_ =	sdelay $0x1  }
0xa3: {  	s23 =	simm.s32 $0x1B8B  }
0xa4: {  	_ =	swait.ge [sflag:s23], $0x1  }
0xa5: {  	[sflag:s23] =	ssyncset.done $0x0  }
0xa6: {  	s25 =	simm.s32 $0x1B8E;
	s24 =	sld [smem:$0x3FFE];
	[sflag:s23] =	ssyncadd.s32 $0xFFFFFFFF  }
0xa7: {  	s26 =	simm.s32 $execute0_lowered;
	[smem:$0x3FD2] =	sst s25  }
0xa8: {  	s7 =	sshll.u32 s26, $0x1;
	_ =	strace $0x80000046;
	[dreg:$0x1] =	wrdreg $0xFFFFFFFF  }
0xa9: {  	s28 =	simm.s32 $_size_execute0_lowered;
	s5 =	sadd.s32 s5, s7;
	[dreg:$0x0] =	wrdreg $0x0  }
0xaa: {  	s7 =	sshll.u32 s28, $0x1;
	[dreg:$0x2] =	wrdreg s5  }
0xab: {  	[dreg:$0x3] =	wrdreg s7  }
0xac: {  	[dreg:$0x4] =	wrdreg $0xC0  }
0xad: {  	_ =	task [dreg:s9], $0x5FFFF  }
0xae: {  	[dreg:$0x1] =	wrdreg $0xFFFFFFFF  }
0xaf: {  	[dreg:$0x0] =	wrdreg $0x60  }
0xb0: {  	[dreg:$0x2] =	wrdreg s18  }
0xb1: {  	[dreg:$0x3] =	wrdreg s2  }
0xb2: {  	[dreg:$0x4] =	wrdreg s4  }
0xb3: {  	[dreg:$0x5] =	wrdreg s24  }
0xb4: {  	[dreg:$0x6] =	wrdreg $0x83800  }
0xb5: {  	[dreg:$0x7] =	wrdreg $0x83900  }
0xb6: {  	[dreg:$0x8] =	wrdreg $0x83A00  }
0xb7: {  	[dreg:$0x9] =	wrdreg $0x9  }
0xb8: {  	_ =	task.clear_ibuf [dreg:s9], $0xAFFFF;
	_ =	strace $0x90000046  }
0xb9: {  	s29 =	simm.s32 $0x9;
	_ =	strace $0x80000048  }
0xba: {  	_ =	swait.ge [sflag:s29], $0x1  }
0xbb: {  	[sflag:s29] =	ssyncadd.s32 $0xFFFFFFFF  }
0xbc: {  	_ =	strace $0x90000048  }
0xbd: {  	_ =	sfence  }
0xbe: {  	s30 =	sld [smem:$0x0];
	_ =	sdelay $0x2  }
0xbf: {  	s31 =	sshll.u32 s1, $0xD;
	s1 =	sshrl.u32 s1, $0x2  }
0xc0: {  	s3 =	sand.u32 $0x4000, s31;
	s1 =	sadd.s32 s1, s30  }
0xc1: {  	s0 =	sor.u32 s3, s0;
	s1 =	sshll.u32 s1, $0x11  }
0xc2: {  	s0 =	sor.u32 s1, s0  }
0xc3: {  	s0 =	sadd.s32 $0x8F2B, s0  }
0xc4: {  	[sflag:s0] =	ssyncadd.remote.s32 $0x1  }
0xc5: {  	_ =	sfence.sel $0xFFFF  }
0xc6: {  	[dreg:$0x0] =	wrdreg $0xFFFFFFFF;
	(pc) =	sbr.abs _section_cstart, $3  }
0xc7: {  	[dreg:$0x1] =	wrdreg $0xFFFFFFFF  }
0xc8: {  	_ =	task.clear_ibuf [dreg:s9], $0x2FFFF;
	_ =	strace $0x9FFFFFFF  }
0xc9: {  	(tm) =	ssettm $0x7FFFFFFF  }
tec
execute0_lowered:
.L_overlay_start_1:
0x0: {  	(tag) =	ssettag $0x1  }
0x1: {  	s0 =	rddreg [dreg:$0x0]  }
0x2: {  	s1 =	rddreg [dreg:$0x1]  }
0x3: {  	s2 =	rddreg [dreg:$0x2]  }
0x4: {  	s3 =	rddreg [dreg:$0x3]  }
0x5: {  	s10 =	rddreg [dreg:$0x4]  }
0x6: {  	s12 =	srdreg.scid;
	s11 =	rddreg [dreg:$0x5]  }
0x7: {  	s4 =	rddreg [dreg:$0x6];
	s14 =	stileid.u32;
	s5 =	simm.s32 $0x0  }
0x8: {  	s19 =	simm.s32 $0x80;
	s20 =	simm.s32 $0x200;
	s28 =	simm.s32 $0x3  }
0x9: {  	s29 =	simm.s32 $0x7E80;
	s30 =	simm.s32 $0x6;
	s31 =	simm.s32 $0x7F00  }
0xa: {  	s13 =	sand.u32 $0x1, s12;
	[smem:$0x7FF] =	sst s5;
	s3 =	sadd.s32 $0x800, s3  }
0xb: {  	s21 =	sshll.u32 s14, $0x4;
	s9 =	sadd.s32 $0x1E0DE, s0;
	s24 =	sand.u32 $0x2, s12  }
0xc: {  	s12 =	sshrl.u32 s12, $0x2;
	p1 =	sne.s32 s14, $0x0;
	s15 =	sshll.u32 s13, $0x4  }
0xd: {  	_ =	strace $0x80000047;
	s7 =	ssub.s32 $0x2, s13;
	s10 =	sadd.s32 s21, s10  }
0xe: {  	v0 =	vimm.s32 $0xFEDCBA98;
	s11 =	sadd.s32 s21, s11;
	s23 =	sxor.u32 $0x1, s13;
	[dreg:$0x9] =	wrdreg s12  }
0xf: {  	v1 =	vimm.s32 $0x76543210;
	v2 =	vimm.s32 $0xBA98FEDC;
	s21 =	simm.s32 $0x280;
	s17 =	sor.u32 s14, s15;
	s8 =	sshrl.u32 s7, $0x1  }
0x10: {  	v3 =	vimm.s32 $0x32107654;
	v4 =	vimm.s32 $0xDCFE98BA;
	s22 =	sadd.s32 s3, s15;
	s25 =	sor.u32 s23, s24;
	s24 =	simm.s32 $0x180  }
0x11: {  	v5 =	vimm.s32 $0x54761032;
	v6 =	vimm.s32 $0xEFCDAB89;
	s6 =	smul.u32 $0x7A20, s17;
	s16 =	ssub.s32 s7, s8;
	s18 =	sshll.u32 s17, $0x6  }
0x12: {  	v7 =	vimm.s32 $0x67452301;
	v0 =	vunpack.c.l.s4.s8 v0;
	v1 =	vunpack.c.l.s4.s8 v1;
	[dreg:$0x8] =	wrdreg s22;
	s12 =	sor.u32 $0x4, s25;
	p0 =	seq.s32 s17, $0x1F  }
0x13: {  	v2 =	vunpack.c.l.s4.s8 v2;
	v3 =	vunpack.c.l.s4.s8 v3;
	v4 =	vunpack.c.l.s4.s8 v4;
	s17 =	simm.s32 $0x400;
	s22 =	simm.s32 $0x100;
	s7 =	sadd.s32 s1, s18  }
0x14: {  	v5 =	vunpack.c.l.s4.s8 v5;
	v6 =	vunpack.c.l.s4.s8 v6;
	v7 =	vunpack.c.l.s4.s8 v7;
	s1 =	sshll.u32 s23, $0x4;
	s15 =	sadd.s32 s2, s18;
	s16 =	smax.u32 s16, $0x1  }
.Ltmp0:
0x15: {  	v0 =	vunpack.c.0.s8.s32 v0;
	v1 =	vunpack.c.0.s8.s32 v1;
	v2 =	vunpack.c.0.s8.s32 v2;
	s18 =	simm.s32 $0x1;
	s23 =	simm.s32 $0x300;
	(pc) =	sbr.rel .LBB2_1-.Ltmp0, $4  }
0x16: {  	v3 =	vunpack.c.0.s8.s32 v3;
	v4 =	vunpack.c.0.s8.s32 v4;
	v5 =	vunpack.c.0.s8.s32 v5;
	s26 =	sshll.u32 s12, $0xE;
	s2 =	simm.s32 $0x5;
	s12 =	simm.s32 $0x0  }
0x17: {  	v6 =	vunpack.c.0.s8.s32 v6;
	v7 =	vunpack.c.0.s8.s32 v7;
	v0 =	vand.u32 $0xF, v0;
	s6 =	sshrl.u32 s6, $0x3;
	s1 =	sadd.s32 s3, s1;
	[dreg:$0xb] =	wrdreg s26  }
0x18: {  	s26 =	simm.s32 $0x380;
	v0 =	vcombine.low v0, v1;
	v1 =	vcombine.low v3, v2;
	s3 =	simm.s32 $0x8300;
	s6 =	sadd.s32 s0, s6  }
0x19: {  	v2 =	vcombine.low v5, v4;
	v3 =	vcombine.low v7, v6;
	[dreg:$0xa] =	wrdreg s1;
	s1 =	simm.s32 $0x2;
	s8 =	sadd.s32 $0x7A2, s6  }
.LBB2_9:
0x1a: {  	[bflag:$0x0] =	sbarrier.arrive $0xFFFF  }
0x1b: {  	[tilespmem:s3], [sflag:$0x6] =	stream.linear.gather [spmem:s4], $0x80, $0x38;
	[tilespmem:$0x83A8] =	vst v63  }
0x1c: {  	_ =	swait.ge [sflag:s30], $0x80  }
0x1d: {  	[sflag:s30] =	ssyncset.done $0x0  }
0x1e: {  	[sflag:s30] =	ssyncadd.s32 $0xFFFFFF80  }
0x1f: {  	v4 =	vld [tilespmem:$0x8300];
	_ =	swait.ge [sflag:s1], $0x80  }
0x20: {  	[sflag:s1] =	ssyncset.done $0x0  }
0x21: {  	[sflag:s1] =	ssyncadd.s32 $0xFFFFFF80  }
0x22: {  	_ =	swait.ge [sflag:s1], $0x80  }
0x23: {  	[sflag:s1] =	ssyncset.done $0x0  }
0x24: {  	[sflag:s1] =	ssyncadd.s32 $0xFFFFFF80  }
0x25: {  	_ =	swait.ge [sflag:s1], $0x80  }
0x26: {  	[sflag:s1] =	ssyncset.done $0x0  }
0x27: {  	[sflag:s1] =	ssyncadd.s32 $0xFFFFFF80  }
0x28: {  	_ =	swait.ge [sflag:s1], $0x80  }
0x29: {  	[sflag:s1] =	ssyncset.done $0x0  }
0x2a: {  	[sflag:s1] =	ssyncadd.s32 $0xFFFFFF80  }
0x2b: {  	v5 =	vld [tilespmem:$0x200]  }
0x2c: {  	v6 =	vld [tilespmem:$0x210]  }
0x2d: {  	v7 =	vld [tilespmem:$0x220]  }
0x2e: {  	v8 =	vld [tilespmem:$0x230]  }
0x2f: {  	v9 =	vld [tilespmem:$0x240]  }
0x30: {  	v10 =	vld [tilespmem:$0x250];
	v5 =	vsub.f32 v5, v4  }
0x31: {  	v11 =	vld [tilespmem:$0x260];
	v6 =	vsub.f32 v6, v4  }
0x32: {  	v25 =	vld [tilespmem:$0x270];
	[tilespmem:$0x200] =	vst v5;
	v5 =	vsub.f32 v7, v4  }
0x33: {  	v27 =	vld [tilespmem:$0x280];
	v26 =	vsub.f32 v8, v4;
	[tilespmem:$0x210] =	vst v6  }
0x34: {  	v28 =	vld [tilespmem:$0x290];
	[tilespmem:$0x220] =	vst v5;
	v5 =	vsub.f32 v9, v4  }
0x35: {  	v30 =	vld [tilespmem:$0x2A0];
	v29 =	vsub.f32 v10, v4;
	[tilespmem:$0x230] =	vst v26  }
0x36: {  	v31 =	vld [tilespmem:$0x2B0];
	[tilespmem:$0x240] =	vst v5;
	v5 =	vsub.f32 v11, v4  }
0x37: {  	v33 =	vld [tilespmem:$0x2C0];
	v32 =	vsub.f32 v25, v4;
	[tilespmem:$0x250] =	vst v29  }
0x38: {  	v34 =	vld [tilespmem:$0x2D0];
	[tilespmem:$0x260] =	vst v5;
	v5 =	vsub.f32 v27, v4  }
0x39: {  	v36 =	vld [tilespmem:$0x2E0];
	v35 =	vsub.f32 v28, v4;
	[tilespmem:$0x270] =	vst v32  }
0x3a: {  	v37 =	vld [tilespmem:$0x2F0];
	[tilespmem:$0x280] =	vst v5;
	v5 =	vsub.f32 v30, v4  }
0x3b: {  	v39 =	vld [tilespmem:$0x300];
	v38 =	vsub.f32 v31, v4;
	[tilespmem:$0x290] =	vst v35  }
0x3c: {  	v40 =	vld [tilespmem:$0x310];
	[tilespmem:$0x2A0] =	vst v5;
	v5 =	vsub.f32 v33, v4  }
0x3d: {  	v42 =	vld [tilespmem:$0x320];
	v41 =	vsub.f32 v34, v4;
	[tilespmem:$0x2B0] =	vst v38  }
0x3e: {  	v43 =	vld [tilespmem:$0x330];
	[tilespmem:$0x2C0] =	vst v5;
	v5 =	vsub.f32 v36, v4  }
0x3f: {  	v45 =	vld [tilespmem:$0x340];
	v44 =	vsub.f32 v37, v4;
	[tilespmem:$0x2D0] =	vst v41  }
0x40: {  	v46 =	vld [tilespmem:$0x350];
	[tilespmem:$0x2E0] =	vst v5;
	v5 =	vsub.f32 v39, v4  }
0x41: {  	v48 =	vld [tilespmem:$0x360];
	v47 =	vsub.f32 v40, v4;
	[tilespmem:$0x2F0] =	vst v44  }
0x42: {  	v49 =	vld [tilespmem:$0x370];
	[tilespmem:$0x300] =	vst v5;
	v5 =	vsub.f32 v42, v4  }
0x43: {  	v51 =	vld [tilespmem:$0x380];
	v50 =	vsub.f32 v43, v4;
	[tilespmem:$0x310] =	vst v47  }
0x44: {  	v52 =	vld [tilespmem:$0x390];
	[tilespmem:$0x320] =	vst v5;
	v5 =	vsub.f32 v45, v4  }
0x45: {  	v54 =	vld [tilespmem:$0x3A0];
	v53 =	vsub.f32 v46, v4;
	[tilespmem:$0x330] =	vst v50  }
0x46: {  	v55 =	vld [tilespmem:$0x3B0];
	[tilespmem:$0x340] =	vst v5;
	v5 =	vsub.f32 v48, v4  }
0x47: {  	v57 =	vld [tilespmem:$0x3C0];
	v56 =	vsub.f32 v49, v4;
	[tilespmem:$0x350] =	vst v53  }
0x48: {  	v58 =	vld [tilespmem:$0x3D0];
	[tilespmem:$0x360] =	vst v5;
	v5 =	vsub.f32 v51, v4  }
0x49: {  	v60 =	vld [tilespmem:$0x3E0];
	v59 =	vsub.f32 v52, v4;
	[tilespmem:$0x370] =	vst v56  }
0x4a: {  	v61 =	vld [tilespmem:$0x3F0];
	[tilespmem:$0x380] =	vst v5;
	v5 =	vsub.f32 v54, v4  }
0x4b: {  	v62 =	vsub.f32 v55, v4;
	[tilespmem:$0x390] =	vst v59  }
0x4c: {  	[tilespmem:$0x3A0] =	vst v5;
	v5 =	vsub.f32 v57, v4  }
0x4d: {  	v63 =	vsub.f32 v58, v4;
	[tilespmem:$0x3B0] =	vst v62  }
0x4e: {  	[tilespmem:$0x3C0] =	vst v5;
	v5 =	vsub.f32 v60, v4  }
0x4f: {  	s12 =	sadd.s32 $0x1, s12;
	[tilespmem:$0x3D0] =	vst v63;
	v4 =	vsub.f32 v61, v4  }
0x50: {  	p2 =	sne.s32 s12, s16;
	[tilespmem:$0x3E0] =	vst v5  }
.Ltmp1:
0x51: {  	[tilespmem:$0x3F0] =	vst v4;
	(pc) =	sbr.rel @!p2 .LBB2_10-.Ltmp1, $4  }
0x52: {  	[hbm4b:s15+s5] =	stream.linear.scatter [tilespmem:s20], [sflag:$0x6], $0x200, $0x38;
	[tilespmem:$0x83A8] =	vst v63  }
0x53: {  	_ =	swait.ge [sflag:s30], $0x200  }
0x54: {  	[sflag:s30] =	ssyncset.done $0x0  }
0x55: {  	[sflag:s30] =	ssyncadd.s32 $0xFFFFFE00  }
.LBB2_1:
0x56: {  	[tilespmem:s5], [sflag:$0x1] =	stream.linear.gather [hbm4b:s7+s5], $0x200, $0x38;
	[tilespmem:$0x83A8] =	vst v63  }
0x57: {  	_ = 	snop  }
0x58: {  	[tilespmem:s17], [sflag:$0x3] =	stream.linear.gather [hbm4b:s6+s5], $0x3D10, $0x38;
	[tilespmem:$0x83A8] =	vst v63  }
0x59: {  	s13 =	simm.s32 @p0 $0x0;
	s14 =	simm.s32 @p0 $0x4110  }
0x5a: {  	v4 =	vimm.f32 @p0 $-Inf;
	[tilespmem:s14], [sflag:$0x4] =	stream.linear.gather @p0 [hbm4b:s9+s13], $0x3B50, $0x38;
	[tilespmem:$0x83A8] =	vst v63  }
0x5b: {  	[tilespmem:$0x7C60] =	vst @p0 v4  }
0x5c: {  	[tilespmem:$0x7C70] =	vst @p0 v4  }
0x5d: {  	[tilespmem:$0x7C80] =	vst @p0 v4  }
0x5e: {  	[tilespmem:$0x7C90] =	vst @p0 v4  }
0x5f: {  	[tilespmem:$0x7CA0] =	vst @p0 v4  }
0x60: {  	[tilespmem:$0x7CB0] =	vst @p0 v4  }
0x61: {  	[tilespmem:$0x7CC0] =	vst @p0 v4  }
0x62: {  	[tilespmem:$0x7CD0] =	vst @p0 v4  }
0x63: {  	[tilespmem:$0x7CE0] =	vst @p0 v4  }
0x64: {  	[tilespmem:$0x7CF0] =	vst @p0 v4  }
0x65: {  	[tilespmem:$0x7D00] =	vst @p0 v4  }
0x66: {  	[tilespmem:$0x7D10] =	vst @p0 v4  }
0x67: {  	[tilespmem:$0x7D20] =	vst @p0 v4  }
0x68: {  	[tilespmem:$0x7D30] =	vst @p0 v4  }
0x69: {  	[tilespmem:$0x7D40] =	vst @p0 v4  }
0x6a: {  	[tilespmem:$0x7D50] =	vst @p0 v4  }
0x6b: {  	[tilespmem:$0x7D60] =	vst @p0 v4  }
0x6c: {  	[tilespmem:$0x7D70] =	vst @p0 v4  }
0x6d: {  	[tilespmem:$0x7D80] =	vst @p0 v4  }
0x6e: {  	[tilespmem:$0x7D90] =	vst @p0 v4  }
0x6f: {  	[tilespmem:$0x7DA0] =	vst @p0 v4  }
0x70: {  	[tilespmem:$0x7DB0] =	vst @p0 v4  }
0x71: {  	[tilespmem:$0x7DC0] =	vst @p0 v4  }
0x72: {  	[tilespmem:$0x7DD0] =	vst @p0 v4  }
0x73: {  	[tilespmem:$0x7DE0] =	vst @p0 v4  }
0x74: {  	[tilespmem:$0x7DF0] =	vst @p0 v4  }
0x75: {  	[tilespmem:$0x7E00] =	vst @p0 v4  }
0x76: {  	s13 =	simm.s32 @!p0 $0x0;
	s14 =	simm.s32 @!p0 $0x4110;
	[tilespmem:$0x7E10] =	vst @p0 v4  }
0x77: {  	[tilespmem:s14], [sflag:$0x4] =	stream.linear.gather @!p0 [hbm4b:s8+s13], $0x3D10, $0x38;
	[tilespmem:$0x83A8] =	vst v63  }
0x78: {  	_ =	swait.ge [sflag:s18], $0x200  }
0x79: {  	[sflag:s18] =	ssyncset.done $0x0  }
0x7a: {  	[sflag:s18] =	ssyncadd.s32 $0xFFFFFE00  }
0x7b: {  	[tilespmem:s20], [sflag:$0x2] =	stream.indirect.gather [hbm4b:s0+s19], $0x1, s5, s19, $0xb8;
	[tilespmem:$0x83A8] =	vst v63  }
0x7c: {  	_ = 	snop  }
0x7d: {  	[tilespmem:s21], [sflag:$0x2] =	stream.indirect.gather [hbm4b:s0+s19], $0x1, s19, s19, $0xb8;
	[tilespmem:$0x83A8] =	vst v63  }
0x7e: {  	_ = 	snop  }
0x7f: {  	[tilespmem:s23], [sflag:$0x2] =	stream.indirect.gather [hbm4b:s0+s19], $0x1, s22, s19, $0xb8;
	[tilespmem:$0x83A8] =	vst v63  }
0x80: {  	_ = 	snop  }
0x81: {  	[tilespmem:s26], [sflag:$0x2] =	stream.indirect.gather [hbm4b:s0+s19], $0x1, s24, s19, $0xb8;
	[tilespmem:$0x83A8] =	vst v63  }
0x82: {  	_ =	swait.ge [sflag:s28], $0x3D10  }
0x83: {  	[sflag:s28] =	ssyncset.done $0x0  }
0x84: {  	s25 =	simm.s32 $0x0;
	[sflag:s28] =	ssyncadd.s32 $0xFFFFC2F0  }
0x85: {  	v4 =	vld [tilespmem:s25+$0x4F0]  }
0x86: {  	v5 =	vld [tilespmem:s25+$0x400]  }
0x87: {  	v6 =	vld [tilespmem:s25+$0x410]  }
0x88: {  	v7 =	vld [tilespmem:s25+$0x420]  }
0x89: {  	v8 =	vld [tilespmem:s25+$0x430]  }
0x8a: {  	v9 =	vld [tilespmem:s25+$0x440]  }
0x8b: {  	v10 =	vld [tilespmem:s25+$0x450]  }
0x8c: {  	v11 =	vld [tilespmem:s25+$0x460]  }
0x8d: {  	v12 =	vld [tilespmem:s25+$0x470]  }
0x8e: {  	v13 =	vld [tilespmem:s25+$0x480]  }
0x8f: {  	v15 =	vimm.f32 $-Inf;
	v14 =	vld [tilespmem:s25+$0x490]  }
0x90: {  	v16 =	vimm.f32 $-Inf;
	v17 =	vimm.f32 $-Inf;
	v18 =	vimm.f32 $-Inf;
	v20 =	vld [tilespmem:s25+$0x4A0]  }
0x91: {  	v19 =	vimm.f32 $-Inf;
	v21 =	vld [tilespmem:s25+$0x4B0];
	v4 =	vmax.f32 v15, v4;
	v5 =	vmax.f32 v15, v5  }
0x92: {  	v22 =	vld [tilespmem:s25+$0x4C0];
	v6 =	vmax.f32 v15, v6;
	v7 =	vmax.f32 v15, v7;
	v8 =	vmax.f32 v15, v8  }
0x93: {  	v23 =	vld [tilespmem:s25+$0x4D0];
	v9 =	vmax.f32 v15, v9;
	v10 =	vmax.f32 v15, v10;
	v11 =	vmax.f32 v15, v11  }
0x94: {  	s13 =	simm.s32 $0x100;
	s14 =	simm.s32 $0x800;
	v24 =	vld [tilespmem:s25+$0x4E0];
	v12 =	vmax.f32 v15, v12;
	v13 =	vmax.f32 v15, v13;
	v14 =	vmax.f32 v15, v14  }
.LBB2_2:
0x95: {  	p2 =	sne.s32 s14, $0xF000;
	v25 =	vld [tilespmem:s13+$0x4F0];
	v15 =	vmax.f32 v15, v20  }
0x96: {  	v20 =	vld [tilespmem:s13+$0x400];
	v16 =	vmax.f32 v16, v21  }
0x97: {  	v21 =	vld [tilespmem:s13+$0x410];
	v17 =	vmax.f32 v17, v22  }
0x98: {  	v22 =	vld [tilespmem:s13+$0x420];
	v18 =	vmax.f32 v18, v23  }
0x99: {  	v23 =	vld [tilespmem:s13+$0x430];
	v19 =	vmax.f32 v19, v24  }
0x9a: {  	v24 =	vld [tilespmem:s13+$0x440];
	v4 =	vmax.f32 v4, v25  }
0x9b: {  	v5 =	vmax.f32 v5, v20;
	v20 =	vld [tilespmem:s13+$0x450]  }
0x9c: {  	v6 =	vmax.f32 v6, v21;
	v21 =	vld [tilespmem:s13+$0x460]  }
0x9d: {  	v7 =	vmax.f32 v7, v22;
	v22 =	vld [tilespmem:s13+$0x470]  }
0x9e: {  	v8 =	vmax.f32 v8, v23;
	v23 =	vld [tilespmem:s13+$0x480]  }
0x9f: {  	v9 =	vmax.f32 v9, v24;
	v24 =	vld [tilespmem:s13+$0x490]  }
.Ltmp2:
0xa0: {  	v10 =	vmax.f32 v10, v20;
	v20 =	vld [tilespmem:s13+$0x4A0];
	(pc) =	sbr.rel @p2 .LBB2_2-.Ltmp2, $4  }
0xa1: {  	v11 =	vmax.f32 v11, v21;
	v21 =	vld [tilespmem:s13+$0x4B0]  }
0xa2: {  	v12 =	vmax.f32 v12, v22;
	v22 =	vld [tilespmem:s13+$0x4C0]  }
0xa3: {  	v13 =	vmax.f32 v13, v23;
	v23 =	vld [tilespmem:s13+$0x4D0]  }
0xa4: {  	v14 =	vmax.f32 v14, v24;
	v24 =	vld [tilespmem:s13+$0x4E0];
	s13 =	sshra.s32 s14, $0x2;
	s14 =	sadd.s32 $0x400, s14  }
0xa5: {  	v25 =	vld [tilespmem:s13+$0x4F0]  }
0xa6: {  	v26 =	vld [tilespmem:s13+$0x400]  }
0xa7: {  	v27 =	vld [tilespmem:s13+$0x410]  }
0xa8: {  	v28 =	vld [tilespmem:s13+$0x420]  }
0xa9: {  	v29 =	vld [tilespmem:s13+$0x430]  }
0xaa: {  	v30 =	vld [tilespmem:s13+$0x440]  }
0xab: {  	v31 =	vld [tilespmem:s13+$0x450]  }
0xac: {  	v32 =	vld [tilespmem:s13+$0x460]  }
0xad: {  	v33 =	vld [tilespmem:s13+$0x470]  }
0xae: {  	v34 =	vld [tilespmem:s13+$0x480]  }
0xaf: {  	v35 =	vld [tilespmem:s13+$0x490]  }
0xb0: {  	v36 =	vld [tilespmem:s13+$0x4A0]  }
0xb1: {  	v37 =	vld [tilespmem:s13+$0x4B0]  }
0xb2: {  	v38 =	vld [tilespmem:s13+$0x4C0]  }
0xb3: {  	v39 =	vld [tilespmem:s13+$0x4D0]  }
0xb4: {  	v40 =	vld [tilespmem:s13+$0x4E0];
	s13 =	simm.s32 @p0 $0x4  }
0xb5: {  	_ =	swait.ge @p0 [sflag:s13], $0x3B50  }
0xb6: {  	[sflag:s13] =	ssyncset.done @p0 $0x0  }
0xb7: {  	[sflag:s13] =	ssyncadd.s32 @p0 $0xFFFFC4B0;
	s13 =	simm.s32 @!p0 $0x4  }
0xb8: {  	_ =	swait.ge @!p0 [sflag:s13], $0x3D10  }
0xb9: {  	[sflag:s13] =	ssyncset.done @!p0 $0x0  }
0xba: {  	s25 =	simm.s32 $0x0;
	[sflag:s13] =	ssyncadd.s32 @!p0 $0xFFFFC2F0  }
0xbb: {  	v41 =	vld [tilespmem:s25+$0x41F0]  }
0xbc: {  	v42 =	vld [tilespmem:s25+$0x4100]  }
0xbd: {  	v43 =	vld [tilespmem:s25+$0x4110]  }
0xbe: {  	v44 =	vld [tilespmem:s25+$0x4120]  }
0xbf: {  	v45 =	vld [tilespmem:s25+$0x4130]  }
0xc0: {  	v15 =	vmax.f32 v15, v20;
	v16 =	vmax.f32 v16, v21;
	v46 =	vld [tilespmem:s25+$0x4140]  }
0xc1: {  	v17 =	vmax.f32 v17, v22;
	v18 =	vmax.f32 v18, v23;
	v19 =	vmax.f32 v19, v24;
	v47 =	vld [tilespmem:s25+$0x4150]  }
0xc2: {  	v4 =	vmax.f32 v4, v25;
	v20 =	vmax.f32 v5, v26;
	v6 =	vmax.f32 v6, v27;
	v25 =	vld [tilespmem:s25+$0x4160]  }
0xc3: {  	v24 =	vmax.f32 v7, v28;
	v26 =	vmax.f32 v8, v29;
	v27 =	vmax.f32 v9, v30;
	v58 =	vld [tilespmem:s25+$0x4170]  }
0xc4: {  	v59 =	vmax.f32 v10, v31;
	v60 =	vmax.f32 v11, v32;
	v12 =	vmax.f32 v12, v33;
	v61 =	vld [tilespmem:s25+$0x4180]  }
0xc5: {  	v13 =	vmax.f32 v13, v34;
	v62 =	vmax.f32 v14, v35;
	v11 =	vmax.f32 v15, v36;
	v63 =	vld [tilespmem:s25+$0x4190]  }
0xc6: {  	v10 =	vmax.f32 v16, v37;
	v9 =	vmax.f32 v17, v38;
	v8 =	vmax.f32 v18, v39;
	v23 =	vld [tilespmem:s25+$0x41A0]  }
0xc7: {  	v7 =	vmax.f32 v19, v40;
	v22 =	vld [tilespmem:s25+$0x41B0];
	v5 =	vmax.f32 v4, v41;
	v21 =	vmax.f32 v20, v42  }
0xc8: {  	v20 =	vmax.f32 v6, v43;
	v19 =	vmax.f32 v24, v44;
	v18 =	vmax.f32 v26, v45;
	v24 =	vld [tilespmem:s25+$0x41C0]  }
0xc9: {  	v17 =	vmax.f32 v27, v46;
	v16 =	vmax.f32 v59, v47;
	v15 =	vmax.f32 v60, v25;
	v25 =	vld [tilespmem:s25+$0x41D0]  }
0xca: {  	s14 =	simm.s32 $0x800;
	s13 =	simm.s32 $0x100;
	v14 =	vmax.f32 v12, v58;
	v13 =	vmax.f32 v13, v61;
	v12 =	vmax.f32 v62, v63;
	v26 =	vld [tilespmem:s25+$0x41E0]  }
.LBB2_4:
0xcb: {  	p2 =	sne.s32 s14, $0xF000;
	v4 =	vld [tilespmem:s13+$0x41F0];
	v11 =	vmax.f32 v11, v23  }
0xcc: {  	v6 =	vld [tilespmem:s13+$0x4100];
	v10 =	vmax.f32 v10, v22  }
0xcd: {  	v22 =	vld [tilespmem:s13+$0x4110];
	v9 =	vmax.f32 v9, v24  }
0xce: {  	v23 =	vld [tilespmem:s13+$0x4120];
	v8 =	vmax.f32 v8, v25  }
0xcf: {  	v24 =	vld [tilespmem:s13+$0x4130];
	v7 =	vmax.f32 v7, v26  }
0xd0: {  	v25 =	vld [tilespmem:s13+$0x4140];
	v5 =	vmax.f32 v5, v4  }
0xd1: {  	v21 =	vmax.f32 v21, v6;
	v4 =	vld [tilespmem:s13+$0x4150]  }
0xd2: {  	v20 =	vmax.f32 v20, v22;
	v6 =	vld [tilespmem:s13+$0x4160]  }
0xd3: {  	v19 =	vmax.f32 v19, v23;
	v26 =	vld [tilespmem:s13+$0x4170]  }
0xd4: {  	v18 =	vmax.f32 v18, v24;
	v27 =	vld [tilespmem:s13+$0x4180]  }
0xd5: {  	v17 =	vmax.f32 v17, v25;
	v28 =	vld [tilespmem:s13+$0x4190]  }
.Ltmp3:
0xd6: {  	v16 =	vmax.f32 v16, v4;
	v23 =	vld [tilespmem:s13+$0x41A0];
	(pc) =	sbr.rel @p2 .LBB2_4-.Ltmp3, $4  }
0xd7: {  	v15 =	vmax.f32 v15, v6;
	v22 =	vld [tilespmem:s13+$0x41B0]  }
0xd8: {  	v14 =	vmax.f32 v14, v26;
	v24 =	vld [tilespmem:s13+$0x41C0]  }
0xd9: {  	v13 =	vmax.f32 v13, v27;
	v25 =	vld [tilespmem:s13+$0x41D0]  }
0xda: {  	v12 =	vmax.f32 v12, v28;
	v26 =	vld [tilespmem:s13+$0x41E0];
	s13 =	sshra.s32 s14, $0x2;
	s14 =	sadd.s32 $0x400, s14  }
0xdb: {  	v27 =	vld [tilespmem:s13+$0x4100]  }
0xdc: {  	v28 =	vld [tilespmem:s13+$0x4110]  }
0xdd: {  	v6 =	vld [tilespmem:$0x7E00]  }
0xde: {  	v4 =	vld [tilespmem:$0x7E10]  }
0xdf: {  	v29 =	vld [tilespmem:s13+$0x4120]  }
0xe0: {  	v30 =	vld [tilespmem:s13+$0x4130]  }
0xe1: {  	v31 =	vld [tilespmem:s13+$0x4140];
	v21 =	vmax.f32 v21, v27  }
0xe2: {  	v27 =	vld [tilespmem:s13+$0x4150];
	v21 =	vmax.f32 v21, v6  }
0xe3: {  	v20 =	vmax.f32 v20, v28;
	v28 =	vld [tilespmem:s13+$0x4160];
	v21 =	vmax.f32 v21, v4  }
0xe4: {  	v19 =	vmax.f32 v19, v29;
	v29 =	vld [tilespmem:s13+$0x4170];
	v20 =	vmax.f32 v21, v20  }
0xe5: {  	v18 =	vmax.f32 v18, v30;
	v21 =	vld [tilespmem:s13+$0x4180];
	v19 =	vmax.f32 v20, v19  }
0xe6: {  	v17 =	vmax.f32 v17, v31;
	v20 =	vld [tilespmem:s13+$0x4190];
	v18 =	vmax.f32 v19, v18  }
0xe7: {  	v16 =	vmax.f32 v16, v27;
	v19 =	vld [tilespmem:s13+$0x41A0];
	v17 =	vmax.f32 v18, v17  }
0xe8: {  	v15 =	vmax.f32 v15, v28;
	v18 =	vld [tilespmem:s13+$0x41B0];
	v16 =	vmax.f32 v17, v16  }
0xe9: {  	v14 =	vmax.f32 v14, v29;
	v17 =	vld [tilespmem:s13+$0x41C0];
	v15 =	vmax.f32 v16, v15  }
0xea: {  	v13 =	vmax.f32 v13, v21;
	v16 =	vld [tilespmem:s13+$0x41D0];
	v14 =	vmax.f32 v15, v14  }
0xeb: {  	v11 =	vmax.f32 v11, v23;
	v12 =	vmax.f32 v12, v20;
	v15 =	vld [tilespmem:s13+$0x41E0];
	v13 =	vmax.f32 v14, v13  }
0xec: {  	v10 =	vmax.f32 v10, v22;
	v14 =	vld [tilespmem:s13+$0x41F0];
	v11 =	vmax.f32 v11, v19;
	v12 =	vmax.f32 v13, v12  }
0xed: {  	v9 =	vmax.f32 v9, v24;
	v10 =	vmax.f32 v10, v18;
	v11 =	vmax.f32 v12, v11  }
0xee: {  	v8 =	vmax.f32 v8, v25;
	v9 =	vmax.f32 v9, v17;
	v10 =	vmax.f32 v11, v10  }
0xef: {  	v7 =	vmax.f32 v7, v26;
	v8 =	vmax.f32 v8, v16;
	v9 =	vmax.f32 v10, v9  }
0xf0: {  	v7 =	vmax.f32 v7, v15;
	v8 =	vmax.f32 v9, v8  }
0xf1: {  	v5 =	vmax.f32 v5, v14;
	v7 =	vmax.f32 v8, v7  }
0xf2: {  	v5 =	vmax.f32 v7, v5  }
0xf3: {  	v7 =	vperm.xlane v5, v0;
	_ =	sdelay $0x1  }
0xf4: {  	v5 =	vmax.f32 v5, v7  }
0xf5: {  	s14 =	simm.s32 $0x100;
	v7 =	vperm.xlane v5, v1  }
0xf6: {  	v24 =	vld [tilespmem:s14+$0x430]  }
0xf7: {  	v27 =	vld [tilespmem:s14+$0x4F0];
	v5 =	vmax.f32 v5, v7  }
0xf8: {  	s25 =	simm.s32 $0x0;
	v29 =	vld [tilespmem:s14+$0x4C0];
	v7 =	vperm.xlane v5, v2  }
0xf9: {  	v8 =	vld [tilespmem:s25+$0x430]  }
0xfa: {  	v5 =	vmax.f32 v5, v7;
	v7 =	vld [tilespmem:s25+$0x440]  }
0xfb: {  	v10 =	vld [tilespmem:s25+$0x450];
	v9 =	vperm.xlane v5, v3  }
0xfc: {  	v11 =	vld [tilespmem:s25+$0x4A0]  }
0xfd: {  	v5 =	vmax.f32 v5, v9;
	v9 =	vld [tilespmem:s25+$0x410]  }
0xfe: {  	v13 =	vld [tilespmem:s25+$0x4F0];
	v8 =	vsub.f32 v8, v5  }
0xff: {  	v15 =	vld [tilespmem:s25+$0x470];
	v7 =	vsub.f32 v7, v5  }
0x100: {  	v14 =	vld [tilespmem:s25+$0x4D0];
	v10 =	vsub.f32 v10, v5;
	v8 =	vmul.f32 $1.442695020e+00, v8  }
0x101: {  	v12 =	vld [tilespmem:s25+$0x480];
	v11 =	vsub.f32 v11, v5;
	v7 =	vmul.f32 $1.442695020e+00, v7  }
0x102: {  	v10 =	vmul.f32 $1.442695020e+00, v10;
	v9 =	vsub.f32 v9, v5;
	(erf) = vpow2.f32 v8;
	v8 =	vld [tilespmem:s25+$0x4E0]  }
0x103: {  	v16 =	vld [tilespmem:s25+$0x4C0];
	v11 =	vmul.f32 $1.442695020e+00, v11;
	(erf) = vpow2.f32 v7  }
0x104: {  	v7 =	vsub.f32 v13, v5;
	(erf) = vpow2.f32 v10;
	v9 =	vmul.f32 $1.442695020e+00, v9;
	v10 =	vld [tilespmem:s25+$0x460]  }
0x105: {  	v14 =	vsub.f32 v14, v5;
	v15 =	vsub.f32 v15, v5;
	v13 =	vld [tilespmem:s25+$0x490];
	(erf) = vpow2.f32 v11  }
0x106: {  	v17 =	vld [tilespmem:s25+$0x4B0];
	v24 =	vsub.f32 v24, v5;
	v11 =	vmul.f32 $1.442695020e+00, v7;
	(erf) = vpow2.f32 v9  }
0x107: {  	v9 =	vsub.f32 v12, v5;
	v12 =	vld [tilespmem:s25+$0x420];
	v8 =	vsub.f32 v8, v5  }
0x108: {  	v27 =	vsub.f32 v27, v5;
	v31 =	vsub.f32 v29, v5;
	(erf) = vpow2.f32 v11  }
0x109: {  	v14 =	vmul.f32 $1.442695020e+00, v14;
	v11 =	vld [tilespmem:s25+$0x400];
	v19 =	vmul.f32 $1.442695020e+00, v8;
	v8 =	vsub.f32 v10, v5  }
0x10a: {  	v18 =	vmul.f32 $1.442695020e+00, v9;
	v9 =	vsub.f32 v16, v5;
	v13 =	vsub.f32 v13, v5  }
0x10b: {  	v15 =	vmul.f32 $1.442695020e+00, v15;
	v7 =	vimm.f32 $0.0e+00;
	v16 =	vld [tilespmem:s14+$0x450];
	v10 =	vsub.f32 v17, v5;
	v17 =	vpop (erf)  }
0x10c: {  	v13 =	vmul.f32 $1.442695020e+00, v13;
	v20 =	vmul.f32 $1.442695020e+00, v9;
	v12 =	vsub.f32 v12, v5;
	v22 =	vpop (erf)  }
0x10d: {  	v21 =	vld [tilespmem:s14+$0x440];
	v23 =	vmul.f32 $1.442695020e+00, v8;
	v9 =	vadd.f32 v17, v7;
	v8 =	vpop (erf);
	(erf) = vpow2.f32 v18  }
0x10e: {  	v26 =	vld [tilespmem:s14+$0x480];
	v17 =	vmul.f32 $1.442695020e+00, v10;
	v10 =	vsub.f32 v11, v5;
	v18 =	vpop (erf);
	(erf) = vpow2.f32 v13  }
0x10f: {  	v25 =	vmul.f32 $1.442695020e+00, v12;
	v11 =	vadd.f32 v8, v7;
	v8 =	vpop (erf);
	(erf) = vpow2.f32 v14  }
0x110: {  	v13 =	vsub.f32 v16, v5;
	v16 =	vmul.f32 $1.442695020e+00, v10;
	v14 =	vld [tilespmem:s14+$0x4A0];
	(erf) = vpow2.f32 v15  }
0x111: {  	v10 =	vadd.f32 v18, v7;
	v18 =	vld [tilespmem:s14+$0x4D0];
	v12 =	vadd.f32 v8, v7;
	v8 =	vpop (erf);
	(erf) = vpow2.f32 v17  }
0x112: {  	v32 =	vmul.f32 $1.442695020e+00, v27;
	v15 =	vsub.f32 v21, v5;
	v21 =	vld [tilespmem:s14+$0x410];
	(erf) = vpow2.f32 v19  }
0x113: {  	v17 =	vmul.f32 $1.442695020e+00, v13;
	v19 =	vld [tilespmem:s14+$0x470];
	(erf) = vpow2.f32 v20;
	v20 =	vsub.f32 v26, v5  }
0x114: {  	v13 =	vadd.f32 v22, v7;
	v22 =	vmul.f32 $1.442695020e+00, v24;
	(erf) = vpow2.f32 v23  }
0x115: {  	v14 =	vsub.f32 v14, v5;
	(erf) = vpow2.f32 v25;
	v26 =	vmul.f32 $1.442695020e+00, v20;
	v20 =	vld [tilespmem:s14+$0x4E0]  }
0x116: {  	v30 =	vld [tilespmem:s14+$0x490];
	v15 =	vmul.f32 $1.442695020e+00, v15;
	v18 =	vsub.f32 v18, v5;
	(erf) = vpow2.f32 v16  }
0x117: {  	v23 =	vpop (erf);
	v16 =	vsub.f32 v21, v5;
	v14 =	vmul.f32 $1.442695020e+00, v14;
	(erf) = vpow2.f32 v22  }
0x118: {  	v21 =	vld [tilespmem:s14+$0x460];
	v28 =	vmul.f32 $1.442695020e+00, v18;
	v25 =	vpop (erf);
	v19 =	vsub.f32 v19, v5;
	(erf) = vpow2.f32 v15  }
0x119: {  	v8 =	vadd.f32 v8, v7;
	v24 =	vpop (erf);
	(erf) = vpow2.f32 v17;
	v17 =	vmul.f32 $1.442695020e+00, v16  }
0x11a: {  	v22 =	vimm.f32 $0.0e+00;
	v15 =	vpop (erf);
	v29 =	vmul.f32 $1.442695020e+00, v19;
	v18 =	vsub.f32 v20, v5  }
0x11b: {  	v35 =	vld [tilespmem:s14+$0x4B0];
	v19 =	vsub.f32 v30, v5;
	v16 =	vadd.f32 v15, v7;
	v15 =	vpop (erf);
	(erf) = vpow2.f32 v14  }
0x11c: {  	v34 =	vld [tilespmem:s14+$0x420];
	v20 =	vimm.f32 $0.0e+00;
	v15 =	vadd.f32 v15, v7;
	v14 =	vpop (erf);
	(erf) = vpow2.f32 v17  }
0x11d: {  	v36 =	vsub.f32 v21, v5;
	v33 =	vmul.f32 $1.442695020e+00, v19;
	v21 =	vimm.f32 $0.0e+00;
	v17 =	vpop (erf)  }
0x11e: {  	v14 =	vadd.f32 v14, v7;
	v30 =	vmul.f32 $1.442695020e+00, v18;
	(erf) = vpow2.f32 v32;
	v18 =	vpop (erf)  }
0x11f: {  	s13 =	simm.s32 $0x800;
	v27 =	vld [tilespmem:s14+$0x400];
	v17 =	vadd.f32 v17, v7;
	v19 =	vadd.f32 v18, v7;
	v32 =	vpop (erf);
	v18 =	vimm.f32 $0.0e+00  }
.LBB2_6:
0x120: {  	s14 =	sshra.s32 s13, $0x2;
	p2 =	sne.s32 s13, $0x1E400;
	s13 =	sadd.s32 $0x400, s13;
	v35 =	vsub.f32 v35, v5;
	v31 =	vmul.f32 $1.442695020e+00, v31;
	v7 =	vadd.f32 v32, v7;
	v32 =	vpop (erf)  }
0x121: {  	v37 =	vld [tilespmem:s14+$0x450];
	v34 =	vsub.f32 v34, v5;
	v36 =	vmul.f32 $1.442695020e+00, v36;
	v38 =	vpop (erf);
	v22 =	vadd.f32 v32, v22  }
0x122: {  	v21 =	vadd.f32 v23, v21;
	v32 =	vld [tilespmem:s14+$0x440];
	v9 =	vadd.f32 v38, v9;
	v35 =	vmul.f32 $1.442695020e+00, v35;
	v38 =	vpop (erf)  }
0x123: {  	v20 =	vadd.f32 v25, v20;
	v18 =	vadd.f32 v24, v18;
	v23 =	vld [tilespmem:s14+$0x430];
	v34 =	vmul.f32 $1.442695020e+00, v34;
	v39 =	vpop (erf)  }
0x124: {  	v25 =	vsub.f32 v27, v5;
	v24 =	vld [tilespmem:s14+$0x480];
	v11 =	vadd.f32 v39, v11;
	(erf) = vpow2.f32 v26  }
0x125: {  	v26 =	vld [tilespmem:s14+$0x4F0];
	(erf) = vpow2.f32 v33;
	v27 =	vpop (erf)  }
0x126: {  	v25 =	vmul.f32 $1.442695020e+00, v25;
	v33 =	vsub.f32 v37, v5;
	v37 =	vld [tilespmem:s14+$0x4D0];
	v39 =	vpop (erf);
	(erf) = vpow2.f32 v28  }
0x127: {  	v10 =	vadd.f32 v27, v10;
	v28 =	vld [tilespmem:s14+$0x4A0];
	v12 =	vadd.f32 v39, v12;
	(erf) = vpow2.f32 v29;
	v27 =	vpop (erf)  }
0x128: {  	v32 =	vsub.f32 v32, v5;
	v29 =	vld [tilespmem:s14+$0x410];
	v8 =	vadd.f32 v27, v8;
	(erf) = vpow2.f32 v35  }
0x129: {  	v23 =	vsub.f32 v23, v5;
	v33 =	vmul.f32 $1.442695020e+00, v33;
	v27 =	vld [tilespmem:s14+$0x400];
	(erf) = vpow2.f32 v30  }
0x12a: {  	v30 =	vmul.f32 $1.442695020e+00, v32;
	v32 =	vld [tilespmem:s14+$0x470];
	v35 =	vsub.f32 v26, v5;
	(erf) = vpow2.f32 v31  }
0x12b: {  	v13 =	vadd.f32 v38, v13;
	v24 =	vsub.f32 v24, v5;
	v31 =	vld [tilespmem:s14+$0x4C0];
	(erf) = vpow2.f32 v36  }
0x12c: {  	v36 =	vmul.f32 $1.442695020e+00, v23;
	v28 =	vsub.f32 v28, v5;
	(erf) = vpow2.f32 v34  }
0x12d: {  	v26 =	vmul.f32 $1.442695020e+00, v24;
	v34 =	vsub.f32 v37, v5;
	v37 =	vld [tilespmem:s14+$0x4E0];
	(erf) = vpow2.f32 v25;
	v23 =	vpop (erf)  }
0x12e: {  	v39 =	vmul.f32 $1.442695020e+00, v35;
	v29 =	vsub.f32 v29, v5;
	v38 =	vld [tilespmem:s14+$0x490];
	(erf) = vpow2.f32 v36;
	v25 =	vpop (erf)  }
0x12f: {  	v36 =	vmul.f32 $1.442695020e+00, v28;
	v32 =	vsub.f32 v32, v5;
	(erf) = vpow2.f32 v30;
	v24 =	vpop (erf)  }
0x130: {  	v28 =	vmul.f32 $1.442695020e+00, v34;
	v40 =	vld [tilespmem:s14+$0x460];
	v31 =	vsub.f32 v31, v5;
	(erf) = vpow2.f32 v33;
	v30 =	vpop (erf)  }
.Ltmp4:
0x131: {  	v41 =	vmul.f32 $1.442695020e+00, v29;
	v29 =	vmul.f32 $1.442695020e+00, v32;
	v35 =	vld [tilespmem:s14+$0x4B0];
	v16 =	vadd.f32 v30, v16;
	v30 =	vpop (erf);
	(pc) =	sbr.rel @p2 .LBB2_6-.Ltmp4, $4  }
0x132: {  	v34 =	vld [tilespmem:s14+$0x420];
	v42 =	vsub.f32 v37, v5;
	(erf) = vpow2.f32 v36;
	v15 =	vadd.f32 v30, v15;
	v30 =	vpop (erf)  }
0x133: {  	v37 =	vsub.f32 v38, v5;
	(erf) = vpow2.f32 v41;
	v14 =	vadd.f32 v30, v14;
	v33 =	vpop (erf)  }
0x134: {  	v30 =	vmul.f32 $1.442695020e+00, v42;
	(erf) = vpow2.f32 v39;
	v17 =	vadd.f32 v33, v17;
	v32 =	vpop (erf)  }
0x135: {  	v36 =	vsub.f32 v40, v5;
	v33 =	vmul.f32 $1.442695020e+00, v37;
	v19 =	vadd.f32 v32, v19;
	v32 =	vpop (erf)  }
0x136: {  	v35 =	vsub.f32 v35, v5;
	(erf) = vpow2.f32 v26  }
0x137: {  	(erf) = vpow2.f32 v33  }
0x138: {  	v52 =	vpop (erf);
	v53 =	vmul.f32 $1.442695020e+00, v35;
	(erf) = vpow2.f32 v28  }
0x139: {  	v54 =	vpop (erf);
	(erf) = vpow2.f32 v29  }
0x13a: {  	v55 =	vmul.f32 $1.442695020e+00, v31;
	v56 =	vsub.f32 v34, v5;
	v57 =	vpop (erf);
	(erf) = vpow2.f32 v53  }
0x13b: {  	v27 =	vsub.f32 v27, v5;
	v58 =	vmul.f32 $1.442695020e+00, v36;
	v59 =	vpop (erf);
	(erf) = vpow2.f32 v30  }
0x13c: {  	v60 =	vmul.f32 $1.442695020e+00, v56;
	v61 =	vpop (erf);
	(erf) = vpow2.f32 v55  }
0x13d: {  	v6 =	vsub.f32 v6, v5;
	v27 =	vmul.f32 $1.442695020e+00, v27;
	v62 =	vpop (erf);
	(erf) = vpow2.f32 v58  }
0x13e: {  	v4 =	vsub.f32 v4, v5;
	v63 =	vpop (erf);
	(erf) = vpow2.f32 v60  }
0x13f: {  	v6 =	vmul.f32 $1.442695020e+00, v6;
	(erf) = vpow2.f32 v27;
	v44 =	vpop (erf)  }
0x140: {  	v4 =	vmul.f32 $1.442695020e+00, v4;
	v45 =	vpop (erf)  }
0x141: {  	v46 =	vpop (erf);
	(erf) = vpow2.f32 v6  }
0x142: {  	v47 =	vpop (erf)  }
0x143: {  	v37 =	vpop (erf);
	(erf) = vpow2.f32 v4  }
0x144: {  	v4 =	vpop (erf)  }
0x145: {  	v38 =	vpop (erf)  }
0x146: {  	v39 =	vpop (erf)  }
0x147: {  	v22 =	vadd.f32 v52, v22;
	v48 =	vpop (erf)  }
0x148: {  	v40 =	vpop (erf)  }
0x149: {  	v22 =	vadd.f32 v40, v22  }
0x14a: {  	v49 =	vpop (erf)  }
0x14b: {  	v22 =	vadd.f32 v22, v49  }
0x14c: {  	v7 =	vadd.f32 v32, v7;
	v50 =	vpop (erf)  }
0x14d: {  	v12 =	vadd.f32 v62, v12;
	v22 =	vadd.f32 v22, v50;
	_ =	sdelay $0x1  }
0x14e: {  	v7 =	vadd.f32 v48, v7;
	v12 =	vadd.f32 v22, v12;
	_ =	sdelay $0x1  }
0x14f: {  	v9 =	vadd.f32 v54, v9;
	v7 =	vadd.f32 v12, v7;
	_ =	sdelay $0x1  }
0x150: {  	v51 =	vadd.f32 v57, v13;
	v7 =	vadd.f32 v7, v9;
	_ =	sdelay $0x1  }
0x151: {  	v52 =	vadd.f32 v59, v11;
	v7 =	vadd.f32 v7, v51;
	_ =	sdelay $0x1  }
0x152: {  	v53 =	vadd.f32 v39, v19;
	v7 =	vadd.f32 v7, v52  }
0x153: {  	v54 =	vadd.f32 v23, v21  }
0x154: {  	v6 =	vadd.f32 v47, v16;
	v7 =	vadd.f32 v7, v53  }
0x155: {  	v55 =	vadd.f32 v25, v20  }
0x156: {  	v9 =	vadd.f32 v44, v54;
	v6 =	vadd.f32 v7, v6;
	_ =	sdelay $0x1  }
0x157: {  	v56 =	vadd.f32 v45, v55;
	v6 =	vadd.f32 v6, v9;
	_ =	sdelay $0x1  }
0x158: {  	v57 =	vadd.f32 v61, v10;
	v6 =	vadd.f32 v6, v56;
	_ =	sdelay $0x1  }
0x159: {  	v58 =	vadd.f32 v37, v15;
	v6 =	vadd.f32 v6, v57  }
0x15a: {  	v59 =	vadd.f32 v24, v18  }
0x15b: {  	v60 =	vadd.f32 v38, v17;
	v6 =	vadd.f32 v6, v58;
	_ =	sdelay $0x1  }
0x15c: {  	v61 =	vadd.f32 v46, v59;
	v6 =	vadd.f32 v6, v60;
	_ =	sdelay $0x1  }
0x15d: {  	v4 =	vadd.f32 v4, v14;
	v6 =	vadd.f32 v6, v61;
	_ =	sdelay $0x1  }
0x15e: {  	v62 =	vadd.f32 v63, v8;
	v4 =	vadd.f32 v6, v4;
	_ =	sdelay $0x1  }
0x15f: {  	v4 =	vadd.f32 v4, v62;
	_ =	sdelay $0x1  }
0x160: {  	v63 =	vperm.xlane v4, v0;
	_ =	sdelay $0x1  }
0x161: {  	v4 =	vadd.f32 v63, v4;
	_ =	sdelay $0x1  }
0x162: {  	v6 =	vperm.xlane v4, v1;
	_ =	sdelay $0x1  }
0x163: {  	v4 =	vadd.f32 v6, v4;
	_ =	sdelay $0x1  }
0x164: {  	v6 =	vperm.xlane v4, v2;
	_ =	sdelay $0x1  }
0x165: {  	v4 =	vadd.f32 v6, v4;
	_ =	sdelay $0x1  }
0x166: {  	v6 =	vperm.xlane v4, v3;
	_ =	sdelay $0x1  }
0x167: {  	v4 =	vadd.f32 v6, v4  }
0x168: {  	[tilespmem:$0x7E80] =	vst v5  }
0x169: {  	[tilespmem:$0x7F00] =	vst v4  }
0x16a: {  	[spmem:s10] =	stream.linear.scatter [tilespmem:s29], [sflag:$0x6], $0x10, $0x38;
	[tilespmem:$0x83A8] =	vst v63  }
0x16b: {  	_ =	swait.ge [sflag:s30], $0x10  }
0x16c: {  	[sflag:s30] =	ssyncset.done $0x0  }
0x16d: {  	[sflag:s30] =	ssyncadd.s32 $0xFFFFFFF0  }
0x16e: {  	[spmem:s11] =	stream.linear.scatter [tilespmem:s31], [sflag:$0x6], $0x10, $0x38;
	[tilespmem:$0x83A8] =	vst v63  }
.Ltmp5:
0x16f: {  	_ =	swait.ge [sflag:s30], $0x10;
	(pc) =	sbr.rel @p1 .LBB2_9-.Ltmp5, $3  }
0x170: {  	[sflag:s30] =	ssyncset.done $0x0  }
0x171: {  	[sflag:s30] =	ssyncadd.s32 $0xFFFFFFF0  }
0x172: {  	[bflag:$0x0] =	sbarrier.arrive $0xFFFF;
	_ =	sdelay $0x1  }
0x173: {  	s13 =	rddreg [dreg:$0x4];
	s14 =	simm.s32 $0x7F80  }
0x174: {  	[tilespmem:s14], [sflag:$0x6] =	stream.linear.gather [spmem:s13], $0x100, $0x38;
	[tilespmem:$0x83A8] =	vst v63  }
0x175: {  	_ =	swait.ge [sflag:s30], $0x100  }
0x176: {  	[sflag:s30] =	ssyncset.done $0x0  }
0x177: {  	[sflag:s30] =	ssyncadd.s32 $0xFFFFFF00  }
0x178: {  	s25 =	simm.s32 $0x8080;
	s14 =	rddreg [dreg:$0x5]  }
0x179: {  	[tilespmem:s25], [sflag:$0x6] =	stream.linear.gather [spmem:s14], $0x100, $0x38;
	[tilespmem:$0x83A8] =	vst v63  }
0x17a: {  	_ =	swait.ge [sflag:s30], $0x100  }
0x17b: {  	[sflag:s30] =	ssyncset.done $0x0  }
0x17c: {  	[sflag:s30] =	ssyncadd.s32 $0xFFFFFF00  }
0x17d: {  	v5 =	vld [tilespmem:$0x7F80]  }
0x17e: {  	v6 =	vld [tilespmem:$0x7F90]  }
0x17f: {  	v7 =	vld [tilespmem:$0x7FA0]  }
0x180: {  	v8 =	vld [tilespmem:$0x7FB0]  }
0x181: {  	v9 =	vld [tilespmem:$0x7FC0]  }
0x182: {  	v10 =	vld [tilespmem:$0x7FD0]  }
0x183: {  	v11 =	vld [tilespmem:$0x7FE0];
	v4 =	vmax.f32 v5, v6  }
0x184: {  	v12 =	vld [tilespmem:$0x7FF0];
	v4 =	vmax.f32 v4, v7  }
0x185: {  	v13 =	vld [tilespmem:$0x8000];
	v4 =	vmax.f32 v4, v8  }
0x186: {  	v14 =	vld [tilespmem:$0x8010];
	v4 =	vmax.f32 v4, v9  }
0x187: {  	v15 =	vld [tilespmem:$0x8020];
	v4 =	vmax.f32 v4, v10  }
0x188: {  	v16 =	vld [tilespmem:$0x8030];
	v4 =	vmax.f32 v4, v11  }
0x189: {  	v17 =	vld [tilespmem:$0x8040];
	v4 =	vmax.f32 v4, v12  }
0x18a: {  	v18 =	vld [tilespmem:$0x8050];
	v4 =	vmax.f32 v4, v13  }
0x18b: {  	v19 =	vld [tilespmem:$0x8060];
	v4 =	vmax.f32 v4, v14  }
0x18c: {  	v20 =	vld [tilespmem:$0x8070];
	v4 =	vmax.f32 v4, v15  }
0x18d: {  	v4 =	vmax.f32 v4, v16  }
0x18e: {  	v4 =	vmax.f32 v4, v17  }
0x18f: {  	v4 =	vmax.f32 v4, v18  }
0x190: {  	v4 =	vmax.f32 v4, v19  }
0x191: {  	v4 =	vmax.f32 v4, v20  }
0x192: {  	v5 =	vsub.f32 v5, v4;
	_ =	sdelay $0x1  }
0x193: {  	v6 =	vsub.f32 v6, v4;
	v5 =	vmul.f32 $1.442695020e+00, v5;
	_ =	sdelay $0x1  }
0x194: {  	v36 =	vsub.f32 v7, v4;
	(erf) = vpow2.f32 v5;
	v5 =	vmul.f32 $1.442695020e+00, v6;
	_ =	sdelay $0x1  }
0x195: {  	v37 =	vsub.f32 v8, v4;
	(erf) = vpow2.f32 v5;
	v5 =	vmul.f32 $1.442695020e+00, v36;
	_ =	sdelay $0x1  }
0x196: {  	(erf) = vpow2.f32 v5;
	v5 =	vmul.f32 $1.442695020e+00, v37  }
0x197: {  	v39 =	vsub.f32 v9, v4  }
0x198: {  	v38 =	vld [tilespmem:$0x8080];
	(erf) = vpow2.f32 v5  }
0x199: {  	v40 =	vsub.f32 v10, v4;
	v7 =	vmul.f32 $1.442695020e+00, v39  }
0x19a: {  	v44 =	vsub.f32 v11, v4;
	v5 =	vld [tilespmem:$0x8090]  }
0x19b: {  	v43 =	vmul.f32 $1.442695020e+00, v40;
	v41 =	vpop (erf);
	(erf) = vpow2.f32 v7  }
0x19c: {  	v42 =	vld [tilespmem:$0x80A0];
	v48 =	vsub.f32 v12, v4;
	v47 =	vmul.f32 $1.442695020e+00, v44  }
0x19d: {  	v6 =	vmul.f32 v41, v38;
	v45 =	vpop (erf);
	(erf) = vpow2.f32 v43  }
0x19e: {  	v46 =	vld [tilespmem:$0x80B0];
	v51 =	vsub.f32 v13, v4;
	v50 =	vmul.f32 $1.442695020e+00, v48  }
0x19f: {  	v6 =	vadd.f32 $0.0e+00, v6;
	v5 =	vmul.f32 v45, v5;
	v49 =	vpop (erf);
	(erf) = vpow2.f32 v47  }
0x1a0: {  	v53 =	vld [tilespmem:$0x80C0];
	v56 =	vsub.f32 v14, v4;
	v55 =	vmul.f32 $1.442695020e+00, v51  }
0x1a1: {  	v5 =	vadd.f32 v6, v5;
	v52 =	vmul.f32 v49, v42;
	v54 =	vpop (erf);
	(erf) = vpow2.f32 v50  }
0x1a2: {  	v57 =	vld [tilespmem:$0x80D0];
	v61 =	vsub.f32 v15, v4;
	v58 =	vmul.f32 $1.442695020e+00, v56  }
0x1a3: {  	v10 =	vmul.f32 v54, v46;
	v5 =	vadd.f32 v5, v52;
	(erf) = vpow2.f32 v55  }
0x1a4: {  	v60 =	vld [tilespmem:$0x80E0];
	v22 =	vsub.f32 v16, v4;
	v59 =	vpop (erf);
	(erf) = vpow2.f32 v58  }
0x1a5: {  	v21 =	vmul.f32 $1.442695020e+00, v61;
	v5 =	vadd.f32 v5, v10;
	v7 =	vmul.f32 v53, v59  }
0x1a6: {  	v63 =	vld [tilespmem:$0x80F0];
	v26 =	vsub.f32 v17, v4;
	v25 =	vmul.f32 $1.442695020e+00, v22;
	v62 =	vpop (erf)  }
0x1a7: {  	(erf) = vpow2.f32 v21;
	v5 =	vadd.f32 v5, v7;
	v6 =	vmul.f32 v57, v62  }
0x1a8: {  	v24 =	vld [tilespmem:$0x8100];
	v31 =	vsub.f32 v18, v4;
	v30 =	vmul.f32 $1.442695020e+00, v26;
	v23 =	vpop (erf)  }
0x1a9: {  	(erf) = vpow2.f32 v25;
	v5 =	vadd.f32 v5, v6;
	v27 =	vmul.f32 v60, v23  }
0x1aa: {  	v29 =	vld [tilespmem:$0x8110];
	v35 =	vsub.f32 v19, v4;
	v34 =	vmul.f32 $1.442695020e+00, v31;
	v28 =	vpop (erf)  }
0x1ab: {  	(erf) = vpow2.f32 v30;
	v5 =	vadd.f32 v5, v27;
	v32 =	vmul.f32 v63, v28  }
0x1ac: {  	v39 =	vmul.f32 $1.442695020e+00, v35;
	v40 =	vsub.f32 v20, v4;
	v37 =	vld [tilespmem:$0x8120];
	v33 =	vpop (erf)  }
0x1ad: {  	v36 =	vmul.f32 v24, v33;
	v5 =	vadd.f32 v5, v32;
	v38 =	vpop (erf);
	(erf) = vpow2.f32 v34  }
0x1ae: {  	v41 =	vld [tilespmem:$0x8130];
	v42 =	vmul.f32 $1.442695020e+00, v40  }
0x1af: {  	v8 =	vmul.f32 v29, v38;
	(erf) = vpow2.f32 v39;
	v5 =	vadd.f32 v5, v36  }
0x1b0: {  	v44 =	vld [tilespmem:$0x8140];
	v43 =	vpop (erf)  }
0x1b1: {  	(erf) = vpow2.f32 v42;
	v7 =	vmul.f32 v37, v43;
	v5 =	vadd.f32 v5, v8  }
0x1b2: {  	v46 =	vld [tilespmem:$0x8150];
	v45 =	vpop (erf)  }
0x1b3: {  	v6 =	vmul.f32 v41, v45;
	v5 =	vadd.f32 v5, v7  }
0x1b4: {  	v48 =	vld [tilespmem:$0x8160];
	v47 =	vpop (erf)  }
0x1b5: {  	v49 =	vmul.f32 v44, v47;
	v5 =	vadd.f32 v5, v6  }
0x1b6: {  	v51 =	vld [tilespmem:$0x8170];
	v50 =	vpop (erf)  }
0x1b7: {  	v5 =	vadd.f32 v5, v49;
	v52 =	vmul.f32 v46, v50  }
0x1b8: {  	v53 =	vpop (erf)  }
0x1b9: {  	v54 =	vmul.f32 v48, v53;
	v5 =	vadd.f32 v5, v52  }
0x1ba: {  	v55 =	vpop (erf)  }
0x1bb: {  	v56 =	vmul.f32 v51, v55;
	v5 =	vadd.f32 v5, v54;
	_ =	sdelay $0x1  }
0x1bc: {  	v5 =	vadd.f32 v5, v56  }
0x1bd: {  	[tilespmem:$0x8180] =	vst v4  }
0x1be: {  	s25 =	simm.s32 $0x8180;
	s14 =	rddreg [dreg:$0x8];
	[tilespmem:$0x8190] =	vst v5  }
0x1bf: {  	[hbm4b:s14+s5] =	stream.linear.scatter [tilespmem:s25], [sflag:$0x6], $0x80, $0x38;
	[tilespmem:$0x83A8] =	vst v63  }
0x1c0: {  	_ =	swait.ge [sflag:s30], $0x80  }
0x1c1: {  	[sflag:s30] =	ssyncset.done $0x0  }
0x1c2: {  	s25 =	simm.s32 $0x100000;
	[sflag:s30] =	ssyncadd.s32 $0xFFFFFF80  }
0x1c3: {  	[smem:s25], [sflag:$0x0] =	smem.add.s32 $0x0  }
0x1c4: {  	_ =	swait.done [sflag:s5]  }
0x1c5: {  	s14 =	ssyncread [sflag:$0x0];
	_ =	sdelay $0x1  }
0x1c6: {  	s25 =	rddreg [dreg:$0x9]  }
0x1c7: {  	s13 =	sadd.s32 s25, s14  }
0x1c8: {  	s25 =	rddreg [dreg:$0xb];
	s13 =	sshll.u32 s13, $0x11  }
0x1c9: {  	[sflag:s5] =	ssyncset.s32 $0x0;
	s13 =	sor.u32 s13, s25  }
0x1ca: {  	[sflag:s5] =	ssyncset.done $0x0;
	s13 =	sor.u32 $0x1C05, s13  }
0x1cb: {  	[sflag:s13] =	ssyncadd.remote.s32 $0x1  }
0x1cc: {  	_ =	swait.ge [sflag:s2], $0x1  }
0x1cd: {  	[sflag:s2] =	ssyncset.done $0x0  }
0x1ce: {  	s25 =	simm.s32 $0x8200;
	s14 =	rddreg [dreg:$0xa];
	[sflag:s2] =	ssyncadd.s32 $0xFFFFFFFF  }
0x1cf: {  	[tilespmem:s25], [sflag:$0x6] =	stream.linear.gather [hbm4b:s14+s5], $0x80, $0x38;
	[tilespmem:$0x83A8] =	vst v63  }
0x1d0: {  	_ =	swait.ge [sflag:s30], $0x80  }
0x1d1: {  	[sflag:s30] =	ssyncset.done $0x0  }
0x1d2: {  	[sflag:s30] =	ssyncadd.s32 $0xFFFFFF80  }
0x1d3: {  	v57 =	vld [tilespmem:$0x8200];
	_ =	sdelay $0x4  }
0x1d4: {  	v58 =	vmax.f32 v4, v57  }
0x1d5: {  	v4 =	vsub.f32 v4, v58  }
0x1d6: {  	v6 =	vsub.f32 v57, v58  }
0x1d7: {  	v4 =	vmul.f32 $1.442695020e+00, v4  }
0x1d8: {  	v6 =	vmul.f32 $1.442695020e+00, v6  }
0x1d9: {  	(erf) = vpow2.f32 v4  }
0x1da: {  	(erf) = vpow2.f32 v6;
	_ =	sdelay $0x4  }
0x1db: {  	v4 =	vld [tilespmem:$0x8210];
	_ =	sdelay $0x2  }
0x1dc: {  	v59 =	vpop (erf)  }
0x1dd: {  	v60 =	vpop (erf)  }
0x1de: {  	v5 =	vmul.f32 v59, v5;
	v4 =	vmul.f32 v60, v4;
	_ =	sdelay $0x1  }
0x1df: {  	v4 =	vadd.f32 v4, v5;
	_ =	sdelay $0x1  }
0x1e0: {  	v5 =	vcvt.s32.f32 v4;
	_ =	sdelay $0x1  }
0x1e1: {  	v5 =	vmul.f32 $1.192092900e-07, v5;
	_ =	sdelay $0x1  }
0x1e2: {  	v5 =	vadd.f32 $-1.270000000e+02, v5;
	_ =	sdelay $0x1  }
0x1e3: {  	v5 =	vmul.f32 $6.931471820e-01, v5;
	_ =	sdelay $0x1  }
0x1e4: {  	v61 =	vsub.f32 $0.0e+00, v5;
	_ =	sdelay $0x1  }
0x1e5: {  	v6 =	vmul.f32 $1.442695020e+00, v61;
	_ =	sdelay $0x1  }
0x1e6: {  	(erf) = vpow2.f32 v6;
	_ =	sdelay $0x8  }
0x1e7: {  	v6 =	vpop (erf)  }
0x1e8: {  	v6 =	vmul.f32 v6, v4;
	_ =	sdelay $0x1  }
0x1e9: {  	v5 =	vadd.f32 v6, v5;
	_ =	sdelay $0x1  }
0x1ea: {  	v5 =	vadd.f32 $-1.000000000e+00, v5;
	_ =	sdelay $0x1  }
0x1eb: {  	v62 =	vsub.f32 $0.0e+00, v5;
	_ =	sdelay $0x1  }
0x1ec: {  	v6 =	vmul.f32 $1.442695020e+00, v62;
	_ =	sdelay $0x1  }
0x1ed: {  	(erf) = vpow2.f32 v6;
	_ =	sdelay $0x8  }
0x1ee: {  	v6 =	vpop (erf)  }
0x1ef: {  	v6 =	vmul.f32 v6, v4;
	_ =	sdelay $0x1  }
0x1f0: {  	v5 =	vadd.f32 v6, v5;
	_ =	sdelay $0x1  }
0x1f1: {  	v5 =	vadd.f32 $-1.000000000e+00, v5;
	_ =	sdelay $0x1  }
0x1f2: {  	v63 =	vsub.f32 $0.0e+00, v5;
	_ =	sdelay $0x1  }
0x1f3: {  	v6 =	vmul.f32 $1.442695020e+00, v63;
	_ =	sdelay $0x1  }
0x1f4: {  	(erf) = vpow2.f32 v6;
	_ =	sdelay $0x8  }
0x1f5: {  	v6 =	vpop (erf)  }
0x1f6: {  	v4 =	vmul.f32 v6, v4;
	_ =	sdelay $0x1  }
0x1f7: {  	v4 =	vadd.f32 v4, v5;
	_ =	sdelay $0x1  }
0x1f8: {  	v4 =	vadd.f32 $-1.000000000e+00, v4;
	_ =	sdelay $0x1  }
0x1f9: {  	v4 =	vadd.f32 v4, v58;
	_ =	sdelay $0x1  }
.Ltmp6:
0x1fa: {  	s25 =	simm.s32 $0x8280;
	[tilespmem:$0x8280] =	vst v4;
	(pc) =	sbr.rel .LBB2_9-.Ltmp6, $4  }
0x1fb: {  	[spmem:s4] =	stream.linear.scatter [tilespmem:s25], [sflag:$0x6], $0x80, $0x38;
	[tilespmem:$0x83A8] =	vst v63  }
0x1fc: {  	_ =	swait.ge [sflag:s30], $0x80  }
0x1fd: {  	[sflag:s30] =	ssyncset.done $0x0  }
0x1fe: {  	[sflag:s30] =	ssyncadd.s32 $0xFFFFFF80  }
.LBB2_10:
0x1ff: {  	_ =	sfence.sel $0x180000  }
0x200: {  	[bflag:$0x0] =	sbarrier.arrive $0xFFFF  }
0x201: {  	_ =	strace $0x90000047  }
0x202: {  	[bflag:$0x2] =	sbarrier.arrive $0xFFFF  }
0x203: {  	s0 =	rddreg [dreg:$0x7]  }
0x204: {  	s0 =	sadd.s32 @!p1 $0x100000, s0  }
0x205: {  	[sflag:s0] =	ssyncadd.tile.s32 @!p1 $0x1;
	_ =	shalt  }
.Lfunc_end2:
_tile_overlayer_lowered:
.L_overlay_start_2:
0x206: {  	(tag) =	ssettag $0x2  }
0x207: {  	s0 =	rddreg [dreg:$0x0];
	s2 =	stileid.u32  }
0x208: {  	s1 =	rddreg [dreg:$0x1];
	p0 =	sne.s32 s2, $0x0  }
0x209: {  	s3 =	rddreg [dreg:$0x2];
	[bflag:$0x3] =	sbarrier.arrive $0xFFFF;
	s2 =	simm.s32 @!p0 $0x1C06  }
0x20a: {  	[timem:s3], [sflag:s2] =	dma.local @!p0 [hbm:s0], s1  }
0x20b: {  	s0 =	simm.s32 @!p0 $0x6  }
0x20c: {  	_ =	swait.ge @!p0 [sflag:s0], s1  }
0x20d: {  	s1 =	ssub.s32 @!p0 $0x0, s1;
	[sflag:s0] =	ssyncset.done @!p0 $0x0  }
0x20e: {  	[sflag:s0] =	ssyncadd.s32 @!p0 s1  }
0x20f: {  	[bflag:$0x3] =	sbarrier.arrive $0xFFFF  }
0x210: {  	_ =	shalt  }

</sc_bundles>
